<compile_context>
chip_gen: v7x
topology: tpu7x:2x2x1
jax: 0.10.2.dev20260603
libtpu: 0.0.44.dev20260713+nightly
codegen_flags: <defaults>
</compile_context>

<pallas_src>
import functools

import jax
import jax.numpy as jnp
from jax import lax
from jax.experimental import pallas as pl
from jax.experimental.pallas import tpu as pltpu, tpu_sc as plsc

_VOCAB = 10000
_HALF = 64
_NC, _NS = 2, 16
_NW = _NC * _NS
_PARTS = ((0, 96), (96, 104))
_PMAX = 104
_NP = len(_PARTS)


@functools.partial(jax.jit, static_argnames=("B", "L"))
def _sc_embed(pos, W_now, W_next, B, L):
    b_per_w = B // _NW
    total_q = b_per_w * _NP
    mesh = plsc.VectorSubcoreMesh(core_axis_name="c", subcore_axis_name="s")

    @functools.partial(
        pl.kernel,
        out_type=jax.ShapeDtypeStruct((B * L, 2, _HALF), jnp.float32),
        mesh=mesh,
        scratch_types=[
            pltpu.VMEM((2, 2, L), jnp.int32),
            pltpu.VMEM((2, _PMAX, _HALF), jnp.float32),
            pltpu.VMEM((2, _PMAX, _HALF), jnp.float32),
            pltpu.VMEM_SHARED((_VOCAB, _HALF), jnp.float32),
            pltpu.VMEM_SHARED((_VOCAB, _HALF), jnp.float32),
            pltpu.SemaphoreType.DMA,
            pltpu.SemaphoreType.DMA,
            pltpu.SemaphoreType.DMA,
            pltpu.SemaphoreType.DMA,
            pltpu.SemaphoreType.DMA,
            pltpu.SemaphoreType.DMA,
            pltpu.SemaphoreType.DMA,
            pltpu.SemaphoreType.DMA,
        ],
        compiler_params=pltpu.CompilerParams(use_tc_tiling_on_sc=False),
    )
    def k(pos_hbm, wn_hbm, wx_hbm, out_hbm, idx_v, bn_v, bx_v, wn_sp, wx_sp,
          isem0, isem1, gsem0, gsem1, on0, on1, ox0, ox1):
        isems, gsems = (isem0, isem1), (gsem0, gsem1)
        osems_n, osems_x = (on0, on1), (ox0, ox1)
        wid = lax.axis_index("s") * _NC + lax.axis_index("c")
        b0 = wid * b_per_w

        sid = lax.axis_index("s")
        stripe = _VOCAB // _NS
        pltpu.sync_copy(wn_hbm.at[pl.ds(sid * stripe, stripe)],
                        wn_sp.at[pl.ds(sid * stripe, stripe)])
        pltpu.sync_copy(wx_hbm.at[pl.ds(sid * stripe, stripe)],
                        wx_sp.at[pl.ds(sid * stripe, stripe)])
        plsc.subcore_barrier()

        def idx_load(b, t):
            return pltpu.make_async_copy(pos_hbm.at[b0 + b], idx_v.at[t],
                                         isems[t])

        def gathers_start(b_t, part, s):
            off, ln = _PARTS[part]
            pltpu.async_copy(wn_sp.at[idx_v.at[b_t, 0, pl.ds(off, ln)]],
                             bn_v.at[s, pl.ds(0, ln)], gsems[s])
            pltpu.async_copy(wx_sp.at[idx_v.at[b_t, 1, pl.ds(off, ln)]],
                             bx_v.at[s, pl.ds(0, ln)], gsems[s])

        def gathers_wait(part, s):
            _, ln = _PARTS[part]
            pltpu.make_async_copy(wn_hbm.at[pl.ds(0, ln)],
                                  bn_v.at[s, pl.ds(0, ln)], gsems[s]).wait()
            pltpu.make_async_copy(wx_hbm.at[pl.ds(0, ln)],
                                  bx_v.at[s, pl.ds(0, ln)], gsems[s]).wait()

        def store_now(b, part, s):
            off, ln = _PARTS[part]
            return pltpu.make_async_copy(
                bn_v.at[s, pl.ds(0, ln)],
                out_hbm.at[pl.ds((b0 + b) * L + off, ln), 0], osems_n[s])

        def store_next(b, part, s):
            off, ln = _PARTS[part]
            return pltpu.make_async_copy(
                bx_v.at[s, pl.ds(0, ln)],
                out_hbm.at[pl.ds((b0 + b) * L + off, ln), 1], osems_x[s])

        idx_load(0, 0).start()
        idx_load(1, 1).start()

        @pl.loop(0, total_q, step=2 * _NP)
        def _body(g):
            for u in range(2 * _NP):
                q = g + u
                part = u % _NP
                s = u % 2
                b = q // _NP
                b_t = (u // _NP) % 2

                if part == 0:
                    idx_load(0, b_t).wait()

                @pl.when(q >= 2)
                def _():
                    store_now(0, part, s).wait()
                    store_next(0, part, s).wait()

                gathers_start(b_t, part, s)

                part_m1 = (u - 1) % _NP
                s_m1 = 1 - s
                b_t_m1 = ((u - 1) % (2 * _NP)) // _NP

                @pl.when(q >= 1)
                def _():
                    b_m1 = jnp.maximum(q - 1, 0) // _NP
                    gathers_wait(part_m1, s_m1)
                    store_now(b_m1, part_m1, s_m1).start()
                    store_next(b_m1, part_m1, s_m1).start()

                if part_m1 == _NP - 1:
                    @pl.when((q >= 1) & (q - 1 + 2 * _NP < total_q))
                    def _():
                        idx_load(jnp.maximum(q - 1, 0) // _NP + 2, b_t_m1).start()

        q_last = total_q - 1
        gathers_wait(q_last % _NP, q_last % 2)
        store_now(b_per_w - 1, q_last % _NP, q_last % 2).start()
        store_next(b_per_w - 1, q_last % _NP, q_last % 2).start()
        for q in (total_q - 2, total_q - 1):
            store_now(0, q % _NP, q % 2).wait()
            store_next(0, q % _NP, q % 2).wait()

    return k(pos, W_now, W_next)


def kernel(pos, W_now, W_next):
    B, _, L = pos.shape
    out = _sc_embed(pos.astype(jnp.int32), W_now, W_next, B, L)
    return out.reshape(B, L, 2 * _HALF)

# --- scband reference (transcript-rebuilt; emitter-appended) ---
"""Pipeline reference for scband-embedder-36026185679240 (READ-ONLY COPY).

The authoritative reference and input builder live on the scoring server;
editing this copy changes nothing except your own understanding.
"""

import jax, jax.numpy as jnp
import numpy as np

VOCAB = 10000
N_EMBD = 128
HALF = N_EMBD // 2
B = 16384
L = 200

def setup_inputs(seed: int = 0) -> dict:
    key = jax.random.key(seed)
    k_pos, k_now, k_next = jax.random.split(key, 3)
    pos = jax.random.randint(k_pos, (B, 2, L), 0, VOCAB, dtype=jnp.int64 if jax.config.jax_enable_x64 else jnp.int32)
    W_now = jax.random.normal(k_now, (VOCAB, HALF), dtype=jnp.float32)
    W_next = jax.random.normal(k_next, (VOCAB, HALF), dtype=jnp.float32)
    return {"pos": pos, "W_now": W_now, "W_next": W_next}

def reference(pos, W_now, W_next):
    pos_now = pos[:, 0, :]
    pos_next = pos[:, 1, :]
    e_now = jnp.take(W_now, pos_now, axis=0)
    e_next = jnp.take(W_next, pos_next, axis=0)
    return jnp.concatenate((e_now, e_next), axis=-1)

if __name__ == "__main__":
    import jax
    _d = setup_inputs()
    print(jax.jit(kernel)(*tuple(_d.values())))

</pallas_src>

<mosaic_0001>
#map = affine_map<(d0, d1) -> (0, 0, 0)>
#map1 = affine_map<(d0, d1) -> (0, 0)>
module attributes {stable_mosaic.version = 14 : i64} {
  func.func @k(%arg0: i32, %arg1: i32, %arg2: memref<16384x2x200xi32, #tpu.memory_space<hbm>>, %arg3: memref<10000x64xf32, #tpu.memory_space<hbm>>, %arg4: memref<10000x64xf32, #tpu.memory_space<hbm>>, %arg5: memref<3276800x2x64xf32, #tpu.memory_space<hbm>>, %arg6: memref<2x2x200xi32, #tpu.memory_space<vmem>>, %arg7: memref<2x104x64xf32, #tpu.memory_space<vmem>>, %arg8: memref<2x104x64xf32, #tpu.memory_space<vmem>>, %arg9: memref<10000x64xf32, #tpu.memory_space<vmem_shared>>, %arg10: memref<10000x64xf32, #tpu.memory_space<vmem_shared>>, %arg11: memref<!tpu.dma_semaphore, #tpu.memory_space<semaphore_mem>>, %arg12: memref<!tpu.dma_semaphore, #tpu.memory_space<semaphore_mem>>, %arg13: memref<!tpu.dma_semaphore, #tpu.memory_space<semaphore_mem>>, %arg14: memref<!tpu.dma_semaphore, #tpu.memory_space<semaphore_mem>>, %arg15: memref<!tpu.dma_semaphore, #tpu.memory_space<semaphore_mem>>, %arg16: memref<!tpu.dma_semaphore, #tpu.memory_space<semaphore_mem>>, %arg17: memref<!tpu.dma_semaphore, #tpu.memory_space<semaphore_mem>>, %arg18: memref<!tpu.dma_semaphore, #tpu.memory_space<semaphore_mem>>) attributes {dimension_semantics = [#tpu.dimension_semantics<core_parallel>, #tpu.dimension_semantics<subcore_parallel>], iteration_bounds = array<i64: 2, 16>, scalar_prefetch = 0 : i64, scratch_operands = 13 : i64, tpu.core_type = #tpu.core_type<sc_vector_subcore>, window_params = [{transform_indices = #map}, {transform_indices = #map1}, {transform_indices = #map1}, {transform_indices = #map}]} {
    %mul3A = arith.constant 2 : i32
    %mul3A_0 = arith.muli %arg1, %mul3A : i32
    %add3A = arith.addi %mul3A_0, %arg0 : i32
    %mul3A_1 = arith.constant 512 : i32
    %mul3A_2 = arith.muli %add3A, %mul3A_1 : i32
    %mul3A_3 = arith.constant 625 : i32
    %mul3A_4 = arith.muli %arg1, %mul3A_3 : i32
    %mul3A_5 = arith.constant 625 : i32
    %mul3A_6 = arith.muli %arg1, %mul3A_5 : i32
    "tpu.region"() ({
      %run_scoped3A = tpu.sem_alloc : memref<!tpu.dma_semaphore, #tpu.memory_space<semaphore_mem>>
      %dma_start3A_213 = arith.constant 0 : i32
      %dma_start3A_214 = tpu.memref_slice %arg9[%mul3A_6, %dma_start3A_213] : memref<10000x64xf32, #tpu.memory_space<vmem_shared>> -> memref<625x64xf32, #tpu.memory_space<vmem_shared>>
      %dma_start3A_215 = arith.constant 0 : i32
      %dma_start3A_216 = tpu.memref_slice %arg3[%mul3A_4, %dma_start3A_215] : memref<10000x64xf32, #tpu.memory_space<hbm>> -> memref<625x64xf32, #tpu.memory_space<hbm>>
      tpu.enqueue_dma source(%dma_start3A_216 : memref<625x64xf32, #tpu.memory_space<hbm>>) target(%dma_start3A_214 : memref<625x64xf32, #tpu.memory_space<vmem_shared>>) target_semaphore(%run_scoped3A : memref<!tpu.dma_semaphore, #tpu.memory_space<semaphore_mem>>)
      %dma_wait3A_217 = arith.constant 0 : i32
      %dma_wait3A_218 = tpu.memref_slice %arg9[%mul3A_6, %dma_wait3A_217] : memref<10000x64xf32, #tpu.memory_space<vmem_shared>> -> memref<625x64xf32, #tpu.memory_space<vmem_shared>>
      %dma_wait3A_219 = arith.constant 0 : i32
      %dma_wait3A_220 = tpu.memref_slice %arg3[%mul3A_4, %dma_wait3A_219] : memref<10000x64xf32, #tpu.memory_space<hbm>> -> memref<625x64xf32, #tpu.memory_space<hbm>>
      tpu.wait_dma2 semaphore(%run_scoped3A : memref<!tpu.dma_semaphore, #tpu.memory_space<semaphore_mem>>) src(%dma_wait3A_220 : memref<625x64xf32, #tpu.memory_space<hbm>>) dst(%dma_wait3A_218 : memref<625x64xf32, #tpu.memory_space<vmem_shared>>)
      tpu.yield
    }) : () -> ()
    %mul3A_7 = arith.constant 625 : i32
    %mul3A_8 = arith.muli %arg1, %mul3A_7 : i32
    %mul3A_9 = arith.constant 625 : i32
    %mul3A_10 = arith.muli %arg1, %mul3A_9 : i32
    "tpu.region"() ({
      %run_scoped3A = tpu.sem_alloc : memref<!tpu.dma_semaphore, #tpu.memory_space<semaphore_mem>>
      %dma_start3A_213 = arith.constant 0 : i32
      %dma_start3A_214 = tpu.memref_slice %arg10[%mul3A_10, %dma_start3A_213] : memref<10000x64xf32, #tpu.memory_space<vmem_shared>> -> memref<625x64xf32, #tpu.memory_space<vmem_shared>>
      %dma_start3A_215 = arith.constant 0 : i32
      %dma_start3A_216 = tpu.memref_slice %arg4[%mul3A_8, %dma_start3A_215] : memref<10000x64xf32, #tpu.memory_space<hbm>> -> memref<625x64xf32, #tpu.memory_space<hbm>>
      tpu.enqueue_dma source(%dma_start3A_216 : memref<625x64xf32, #tpu.memory_space<hbm>>) target(%dma_start3A_214 : memref<625x64xf32, #tpu.memory_space<vmem_shared>>) target_semaphore(%run_scoped3A : memref<!tpu.dma_semaphore, #tpu.memory_space<semaphore_mem>>)
      %dma_wait3A_217 = arith.constant 0 : i32
      %dma_wait3A_218 = tpu.memref_slice %arg10[%mul3A_10, %dma_wait3A_217] : memref<10000x64xf32, #tpu.memory_space<vmem_shared>> -> memref<625x64xf32, #tpu.memory_space<vmem_shared>>
      %dma_wait3A_219 = arith.constant 0 : i32
      %dma_wait3A_220 = tpu.memref_slice %arg4[%mul3A_8, %dma_wait3A_219] : memref<10000x64xf32, #tpu.memory_space<hbm>> -> memref<625x64xf32, #tpu.memory_space<hbm>>
      tpu.wait_dma2 semaphore(%run_scoped3A : memref<!tpu.dma_semaphore, #tpu.memory_space<semaphore_mem>>) src(%dma_wait3A_220 : memref<625x64xf32, #tpu.memory_space<hbm>>) dst(%dma_wait3A_218 : memref<625x64xf32, #tpu.memory_space<vmem_shared>>)
      tpu.yield
    }) : () -> ()
    %barrier3A = arith.constant 0 : index
    tpu.barrier barrier_id(%barrier3A)
    %add3A_11 = arith.constant 0 : i32
    %add3A_12 = arith.addi %mul3A_2, %add3A_11 : i32
    %dma_start3A = arith.constant 0 : i32
    %dma_start3A_13 = arith.constant 0 : i32
    %dma_start3A_14 = arith.constant 0 : i32
    %dma_start3A_15 = tpu.memref_slice %arg6[%dma_start3A, %dma_start3A_13, %dma_start3A_14] : memref<2x2x200xi32, #tpu.memory_space<vmem>> -> memref<1x2x200xi32, #tpu.memory_space<vmem>>
    %dma_start3A_16 = tpu.memref_squeeze %dma_start3A_15 : memref<1x2x200xi32, #tpu.memory_space<vmem>> -> memref<2x200xi32, #tpu.memory_space<vmem>>
    %dma_start3A_17 = arith.constant 0 : i32
    %dma_start3A_18 = arith.constant 0 : i32
    %dma_start3A_19 = tpu.memref_slice %arg2[%add3A_12, %dma_start3A_17, %dma_start3A_18] : memref<16384x2x200xi32, #tpu.memory_space<hbm>> -> memref<1x2x200xi32, #tpu.memory_space<hbm>>
    %dma_start3A_20 = tpu.memref_squeeze %dma_start3A_19 : memref<1x2x200xi32, #tpu.memory_space<hbm>> -> memref<2x200xi32, #tpu.memory_space<hbm>>
    %dma_start3A_21 = arith.constant 0 : i32
    %dma_start3A_22 = arith.constant 0 : i32
    %dma_start3A_23 = tpu.memref_slice %arg6[%dma_start3A, %dma_start3A_21, %dma_start3A_22] : memref<2x2x200xi32, #tpu.memory_space<vmem>> -> memref<1x2x200xi32, #tpu.memory_space<vmem>>
    %dma_start3A_24 = tpu.memref_squeeze %dma_start3A_23 : memref<1x2x200xi32, #tpu.memory_space<vmem>> -> memref<2x200xi32, #tpu.memory_space<vmem>>
    %dma_start3A_25 = arith.constant 0 : i32
    %dma_start3A_26 = arith.constant 0 : i32
    %dma_start3A_27 = tpu.memref_slice %arg2[%add3A_12, %dma_start3A_25, %dma_start3A_26] : memref<16384x2x200xi32, #tpu.memory_space<hbm>> -> memref<1x2x200xi32, #tpu.memory_space<hbm>>
    %dma_start3A_28 = tpu.memref_squeeze %dma_start3A_27 : memref<1x2x200xi32, #tpu.memory_space<hbm>> -> memref<2x200xi32, #tpu.memory_space<hbm>>
    tpu.enqueue_dma source(%dma_start3A_28 : memref<2x200xi32, #tpu.memory_space<hbm>>) target(%dma_start3A_24 : memref<2x200xi32, #tpu.memory_space<vmem>>) target_semaphore(%arg11 : memref<!tpu.dma_semaphore, #tpu.memory_space<semaphore_mem>>)
    %add3A_29 = arith.constant 1 : i32
    %add3A_30 = arith.addi %mul3A_2, %add3A_29 : i32
    %dma_start3A_31 = arith.constant 1 : i32
    %dma_start3A_32 = arith.constant 0 : i32
    %dma_start3A_33 = arith.constant 0 : i32
    %dma_start3A_34 = tpu.memref_slice %arg6[%dma_start3A_31, %dma_start3A_32, %dma_start3A_33] : memref<2x2x200xi32, #tpu.memory_space<vmem>> -> memref<1x2x200xi32, #tpu.memory_space<vmem>>
    %dma_start3A_35 = tpu.memref_squeeze %dma_start3A_34 : memref<1x2x200xi32, #tpu.memory_space<vmem>> -> memref<2x200xi32, #tpu.memory_space<vmem>>
    %dma_start3A_36 = arith.constant 0 : i32
    %dma_start3A_37 = arith.constant 0 : i32
    %dma_start3A_38 = tpu.memref_slice %arg2[%add3A_30, %dma_start3A_36, %dma_start3A_37] : memref<16384x2x200xi32, #tpu.memory_space<hbm>> -> memref<1x2x200xi32, #tpu.memory_space<hbm>>
    %dma_start3A_39 = tpu.memref_squeeze %dma_start3A_38 : memref<1x2x200xi32, #tpu.memory_space<hbm>> -> memref<2x200xi32, #tpu.memory_space<hbm>>
    %dma_start3A_40 = arith.constant 0 : i32
    %dma_start3A_41 = arith.constant 0 : i32
    %dma_start3A_42 = tpu.memref_slice %arg6[%dma_start3A_31, %dma_start3A_40, %dma_start3A_41] : memref<2x2x200xi32, #tpu.memory_space<vmem>> -> memref<1x2x200xi32, #tpu.memory_space<vmem>>
    %dma_start3A_43 = tpu.memref_squeeze %dma_start3A_42 : memref<1x2x200xi32, #tpu.memory_space<vmem>> -> memref<2x200xi32, #tpu.memory_space<vmem>>
    %dma_start3A_44 = arith.constant 0 : i32
    %dma_start3A_45 = arith.constant 0 : i32
    %dma_start3A_46 = tpu.memref_slice %arg2[%add3A_30, %dma_start3A_44, %dma_start3A_45] : memref<16384x2x200xi32, #tpu.memory_space<hbm>> -> memref<1x2x200xi32, #tpu.memory_space<hbm>>
    %dma_start3A_47 = tpu.memref_squeeze %dma_start3A_46 : memref<1x2x200xi32, #tpu.memory_space<hbm>> -> memref<2x200xi32, #tpu.memory_space<hbm>>
    tpu.enqueue_dma source(%dma_start3A_47 : memref<2x200xi32, #tpu.memory_space<hbm>>) target(%dma_start3A_43 : memref<2x200xi32, #tpu.memory_space<vmem>>) target_semaphore(%arg12 : memref<!tpu.dma_semaphore, #tpu.memory_space<semaphore_mem>>)
    %scan3A = arith.constant 0 : i32
    %scan3A_48 = arith.constant 256 : i32
    %scan3A_49 = arith.addi %scan3A, %scan3A_48 : i32
    %scan3A_50 = arith.constant 1 : i32
    scf.for %scan3A_213 = %scan3A to %scan3A_49 step %scan3A_50  : i32 {
      %mul3A_214 = arith.constant 4 : i32
      %mul3A_215 = arith.muli %scan3A_213, %mul3A_214 : i32
      %add3A_216 = arith.constant 0 : i32
      %add3A_217 = arith.addi %add3A_216, %mul3A_215 : i32
      %add3A_218 = arith.constant 0 : i32
      %add3A_219 = arith.addi %add3A_217, %add3A_218 : i32
      %jit3A = arith.constant 2 : i32
      %div3A = arith.divsi %add3A_219, %jit3A : i32
      %sign3A = arith.constant 0 : i32
      %sign3A_220 = arith.cmpi sgt, %add3A_219, %sign3A : i32
      %sign3A_221 = arith.extui %sign3A_220 : i1 to i32
      %sign3A_222 = arith.constant 0 : i32
      %sign3A_223 = arith.cmpi slt, %add3A_219, %sign3A_222 : i32
      %sign3A_224 = arith.extui %sign3A_223 : i1 to i32
      %sign3A_225 = arith.subi %sign3A_221, %sign3A_224 : i32
      %sign3A_226 = arith.constant 0 : i32
      %sign3A_227 = arith.cmpi sgt, %jit3A, %sign3A_226 : i32
      %sign3A_228 = arith.extui %sign3A_227 : i1 to i32
      %sign3A_229 = arith.constant 0 : i32
      %sign3A_230 = arith.cmpi slt, %jit3A, %sign3A_229 : i32
      %sign3A_231 = arith.extui %sign3A_230 : i1 to i32
      %sign3A_232 = arith.subi %sign3A_228, %sign3A_231 : i32
      %ne3A = arith.cmpi ne, %sign3A_225, %sign3A_232 : i32
      %rem3A = arith.remsi %add3A_219, %jit3A : i32
      %ne3A_233 = arith.constant 0 : i32
      %ne3A_234 = arith.cmpi ne, %rem3A, %ne3A_233 : i32
      %and3A = arith.andi %ne3A, %ne3A_234 : i1
      %sub3A = arith.constant 1 : i32
      %sub3A_235 = arith.subi %div3A, %sub3A : i32
      %select_n3A = arith.select %and3A, %sub3A_235, %div3A : i32
      %add3A_236 = arith.constant 0 : i32
      %add3A_237 = arith.addi %mul3A_2, %add3A_236 : i32
      %dma_wait3A_238 = arith.constant 0 : i32
      %dma_wait3A_239 = arith.constant 0 : i32
      %dma_wait3A_240 = arith.constant 0 : i32
      %dma_wait3A_241 = tpu.memref_slice %arg6[%dma_wait3A_238, %dma_wait3A_239, %dma_wait3A_240] : memref<2x2x200xi32, #tpu.memory_space<vmem>> -> memref<1x2x200xi32, #tpu.memory_space<vmem>>
      %dma_wait3A_242 = tpu.memref_squeeze %dma_wait3A_241 : memref<1x2x200xi32, #tpu.memory_space<vmem>> -> memref<2x200xi32, #tpu.memory_space<vmem>>
      %dma_wait3A_243 = arith.constant 0 : i32
      %dma_wait3A_244 = arith.constant 0 : i32
      %dma_wait3A_245 = tpu.memref_slice %arg2[%add3A_237, %dma_wait3A_243, %dma_wait3A_244] : memref<16384x2x200xi32, #tpu.memory_space<hbm>> -> memref<1x2x200xi32, #tpu.memory_space<hbm>>
      %dma_wait3A_246 = tpu.memref_squeeze %dma_wait3A_245 : memref<1x2x200xi32, #tpu.memory_space<hbm>> -> memref<2x200xi32, #tpu.memory_space<hbm>>
      %dma_wait3A_247 = arith.constant 0 : i32
      %dma_wait3A_248 = arith.constant 0 : i32
      %dma_wait3A_249 = tpu.memref_slice %arg6[%dma_wait3A_238, %dma_wait3A_247, %dma_wait3A_248] : memref<2x2x200xi32, #tpu.memory_space<vmem>> -> memref<1x2x200xi32, #tpu.memory_space<vmem>>
      %dma_wait3A_250 = tpu.memref_squeeze %dma_wait3A_249 : memref<1x2x200xi32, #tpu.memory_space<vmem>> -> memref<2x200xi32, #tpu.memory_space<vmem>>
      %dma_wait3A_251 = arith.constant 0 : i32
      %dma_wait3A_252 = arith.constant 0 : i32
      %dma_wait3A_253 = tpu.memref_slice %arg2[%add3A_237, %dma_wait3A_251, %dma_wait3A_252] : memref<16384x2x200xi32, #tpu.memory_space<hbm>> -> memref<1x2x200xi32, #tpu.memory_space<hbm>>
      %dma_wait3A_254 = tpu.memref_squeeze %dma_wait3A_253 : memref<1x2x200xi32, #tpu.memory_space<hbm>> -> memref<2x200xi32, #tpu.memory_space<hbm>>
      tpu.wait_dma2 semaphore(%arg11 : memref<!tpu.dma_semaphore, #tpu.memory_space<semaphore_mem>>) src(%dma_wait3A_254 : memref<2x200xi32, #tpu.memory_space<hbm>>) dst(%dma_wait3A_250 : memref<2x200xi32, #tpu.memory_space<vmem>>)
      %ge3A = arith.constant 2 : i32
      %ge3A_255 = arith.cmpi sge, %add3A_219, %ge3A : i32
      %convert_element_type3A = arith.extui %ge3A_255 : i1 to i32
      %cond3A = arith.constant 0 : i32
      %cond3A_256 = arith.cmpi ne, %convert_element_type3A, %cond3A : i32
      scf.if %cond3A_256 {
        %add3A_516 = arith.constant 0 : i32
        %add3A_517 = arith.addi %mul3A_2, %add3A_516 : i32
        %mul3A_518 = arith.constant 200 : i32
        %mul3A_519 = arith.muli %add3A_517, %mul3A_518 : i32
        %add3A_520 = arith.constant 0 : i32
        %add3A_521 = arith.addi %mul3A_519, %add3A_520 : i32
        %dma_wait3A_522 = arith.constant 0 : i32
        %dma_wait3A_523 = arith.constant 0 : i32
        %dma_wait3A_524 = arith.constant 0 : i32
        %dma_wait3A_525 = arith.constant 0 : i32
        %dma_wait3A_526 = tpu.memref_slice %arg7[%dma_wait3A_522, %dma_wait3A_524, %dma_wait3A_525] : memref<2x104x64xf32, #tpu.memory_space<vmem>> -> memref<1x96x64xf32, #tpu.memory_space<vmem>>
        %dma_wait3A_527 = tpu.memref_squeeze %dma_wait3A_526 : memref<1x96x64xf32, #tpu.memory_space<vmem>> -> memref<96x64xf32, #tpu.memory_space<vmem>>
        %dma_wait3A_528 = arith.constant 0 : i32
        %dma_wait3A_529 = tpu.memref_slice %arg5[%add3A_521, %dma_wait3A_523, %dma_wait3A_528] : memref<3276800x2x64xf32, #tpu.memory_space<hbm>> -> memref<96x1x64xf32, #tpu.memory_space<hbm>>
        %dma_wait3A_530 = tpu.memref_squeeze %dma_wait3A_529 : memref<96x1x64xf32, #tpu.memory_space<hbm>> -> memref<96x64xf32, #tpu.memory_space<hbm>>
        %dma_wait3A_531 = arith.constant 0 : i32
        %dma_wait3A_532 = tpu.memref_slice %arg5[%add3A_521, %dma_wait3A_523, %dma_wait3A_531] : memref<3276800x2x64xf32, #tpu.memory_space<hbm>> -> memref<96x1x64xf32, #tpu.memory_space<hbm>>
        %dma_wait3A_533 = tpu.memref_squeeze %dma_wait3A_532 : memref<96x1x64xf32, #tpu.memory_space<hbm>> -> memref<96x64xf32, #tpu.memory_space<hbm>>
        %dma_wait3A_534 = arith.constant 0 : i32
        %dma_wait3A_535 = arith.constant 0 : i32
        %dma_wait3A_536 = tpu.memref_slice %arg7[%dma_wait3A_522, %dma_wait3A_534, %dma_wait3A_535] : memref<2x104x64xf32, #tpu.memory_space<vmem>> -> memref<1x96x64xf32, #tpu.memory_space<vmem>>
        %dma_wait3A_537 = tpu.memref_squeeze %dma_wait3A_536 : memref<1x96x64xf32, #tpu.memory_space<vmem>> -> memref<96x64xf32, #tpu.memory_space<vmem>>
        tpu.wait_dma2 semaphore(%arg15 : memref<!tpu.dma_semaphore, #tpu.memory_space<semaphore_mem>>) src(%dma_wait3A_537 : memref<96x64xf32, #tpu.memory_space<vmem>>) dst(%dma_wait3A_533 : memref<96x64xf32, #tpu.memory_space<hbm>>)
        %add3A_538 = arith.constant 0 : i32
        %add3A_539 = arith.addi %mul3A_2, %add3A_538 : i32
        %mul3A_540 = arith.constant 200 : i32
        %mul3A_541 = arith.muli %add3A_539, %mul3A_540 : i32
        %add3A_542 = arith.constant 0 : i32
        %add3A_543 = arith.addi %mul3A_541, %add3A_542 : i32
        %dma_wait3A_544 = arith.constant 0 : i32
        %dma_wait3A_545 = arith.constant 1 : i32
        %dma_wait3A_546 = arith.constant 0 : i32
        %dma_wait3A_547 = arith.constant 0 : i32
        %dma_wait3A_548 = tpu.memref_slice %arg8[%dma_wait3A_544, %dma_wait3A_546, %dma_wait3A_547] : memref<2x104x64xf32, #tpu.memory_space<vmem>> -> memref<1x96x64xf32, #tpu.memory_space<vmem>>
        %dma_wait3A_549 = tpu.memref_squeeze %dma_wait3A_548 : memref<1x96x64xf32, #tpu.memory_space<vmem>> -> memref<96x64xf32, #tpu.memory_space<vmem>>
        %dma_wait3A_550 = arith.constant 0 : i32
        %dma_wait3A_551 = tpu.memref_slice %arg5[%add3A_543, %dma_wait3A_545, %dma_wait3A_550] : memref<3276800x2x64xf32, #tpu.memory_space<hbm>> -> memref<96x1x64xf32, #tpu.memory_space<hbm>>
        %dma_wait3A_552 = tpu.memref_squeeze %dma_wait3A_551 : memref<96x1x64xf32, #tpu.memory_space<hbm>> -> memref<96x64xf32, #tpu.memory_space<hbm>>
        %dma_wait3A_553 = arith.constant 0 : i32
        %dma_wait3A_554 = tpu.memref_slice %arg5[%add3A_543, %dma_wait3A_545, %dma_wait3A_553] : memref<3276800x2x64xf32, #tpu.memory_space<hbm>> -> memref<96x1x64xf32, #tpu.memory_space<hbm>>
        %dma_wait3A_555 = tpu.memref_squeeze %dma_wait3A_554 : memref<96x1x64xf32, #tpu.memory_space<hbm>> -> memref<96x64xf32, #tpu.memory_space<hbm>>
        %dma_wait3A_556 = arith.constant 0 : i32
        %dma_wait3A_557 = arith.constant 0 : i32
        %dma_wait3A_558 = tpu.memref_slice %arg8[%dma_wait3A_544, %dma_wait3A_556, %dma_wait3A_557] : memref<2x104x64xf32, #tpu.memory_space<vmem>> -> memref<1x96x64xf32, #tpu.memory_space<vmem>>
        %dma_wait3A_559 = tpu.memref_squeeze %dma_wait3A_558 : memref<1x96x64xf32, #tpu.memory_space<vmem>> -> memref<96x64xf32, #tpu.memory_space<vmem>>
        tpu.wait_dma2 semaphore(%arg17 : memref<!tpu.dma_semaphore, #tpu.memory_space<semaphore_mem>>) src(%dma_wait3A_559 : memref<96x64xf32, #tpu.memory_space<vmem>>) dst(%dma_wait3A_555 : memref<96x64xf32, #tpu.memory_space<hbm>>)
      } else {
      }
      %dma_start3A_257 = arith.constant 0 : i32
      %dma_start3A_258 = arith.constant 0 : i32
      %dma_start3A_259 = arith.constant 0 : i32
      %dma_start3A_260 = arith.constant 0 : i32
      %dma_start3A_261 = arith.constant 0 : i32
      %dma_start3A_262 = tpu.memref_slice %arg7[%dma_start3A_259, %dma_start3A_260, %dma_start3A_261] : memref<2x104x64xf32, #tpu.memory_space<vmem>> -> memref<1x96x64xf32, #tpu.memory_space<vmem>>
      %dma_start3A_263 = tpu.memref_squeeze %dma_start3A_262 : memref<1x96x64xf32, #tpu.memory_space<vmem>> -> memref<96x64xf32, #tpu.memory_space<vmem>>
      %dma_start3A_264 = arith.constant 0 : i32
      %dma_start3A_265 = tpu.memref_slice %arg6[%dma_start3A_257, %dma_start3A_258, %dma_start3A_264] : memref<2x2x200xi32, #tpu.memory_space<vmem>> -> memref<1x1x96xi32, #tpu.memory_space<vmem>>
      %dma_start3A_266 = tpu.memref_squeeze %dma_start3A_265 : memref<1x1x96xi32, #tpu.memory_space<vmem>> -> memref<96xi32, #tpu.memory_space<vmem>>
      %dma_start3A_267 = arith.constant 0 : i32
      %dma_start3A_268 = arith.constant 0 : i32
      %dma_start3A_269 = tpu.memref_slice %arg9[%dma_start3A_267, %dma_start3A_268] : memref<10000x64xf32, #tpu.memory_space<vmem_shared>> -> memref<10000x64xf32, #tpu.memory_space<vmem_shared>>
      tpu.enqueue_indirect_dma source(%dma_start3A_269 : memref<10000x64xf32, #tpu.memory_space<vmem_shared>>) target(%dma_start3A_263 : memref<96x64xf32, #tpu.memory_space<vmem>>) offsets(%dma_start3A_266 : memref<96xi32, #tpu.memory_space<vmem>>) semaphore(%arg13 : memref<!tpu.dma_semaphore, #tpu.memory_space<semaphore_mem>>)
      %dma_start3A_270 = arith.constant 0 : i32
      %dma_start3A_271 = arith.constant 1 : i32
      %dma_start3A_272 = arith.constant 0 : i32
      %dma_start3A_273 = arith.constant 0 : i32
      %dma_start3A_274 = arith.constant 0 : i32
      %dma_start3A_275 = tpu.memref_slice %arg8[%dma_start3A_272, %dma_start3A_273, %dma_start3A_274] : memref<2x104x64xf32, #tpu.memory_space<vmem>> -> memref<1x96x64xf32, #tpu.memory_space<vmem>>
      %dma_start3A_276 = tpu.memref_squeeze %dma_start3A_275 : memref<1x96x64xf32, #tpu.memory_space<vmem>> -> memref<96x64xf32, #tpu.memory_space<vmem>>
      %dma_start3A_277 = arith.constant 0 : i32
      %dma_start3A_278 = tpu.memref_slice %arg6[%dma_start3A_270, %dma_start3A_271, %dma_start3A_277] : memref<2x2x200xi32, #tpu.memory_space<vmem>> -> memref<1x1x96xi32, #tpu.memory_space<vmem>>
      %dma_start3A_279 = tpu.memref_squeeze %dma_start3A_278 : memref<1x1x96xi32, #tpu.memory_space<vmem>> -> memref<96xi32, #tpu.memory_space<vmem>>
      %dma_start3A_280 = arith.constant 0 : i32
      %dma_start3A_281 = arith.constant 0 : i32
      %dma_start3A_282 = tpu.memref_slice %arg10[%dma_start3A_280, %dma_start3A_281] : memref<10000x64xf32, #tpu.memory_space<vmem_shared>> -> memref<10000x64xf32, #tpu.memory_space<vmem_shared>>
      tpu.enqueue_indirect_dma source(%dma_start3A_282 : memref<10000x64xf32, #tpu.memory_space<vmem_shared>>) target(%dma_start3A_276 : memref<96x64xf32, #tpu.memory_space<vmem>>) offsets(%dma_start3A_279 : memref<96xi32, #tpu.memory_space<vmem>>) semaphore(%arg13 : memref<!tpu.dma_semaphore, #tpu.memory_space<semaphore_mem>>)
      %ge3A_283 = arith.constant 1 : i32
      %ge3A_284 = arith.cmpi sge, %add3A_219, %ge3A_283 : i32
      %convert_element_type3A_285 = arith.extui %ge3A_284 : i1 to i32
      %cond3A_286 = arith.constant 0 : i32
      %cond3A_287 = arith.cmpi ne, %convert_element_type3A_285, %cond3A_286 : i32
      scf.if %cond3A_287 {
        %sub3A_516 = arith.constant 1 : i32
        %sub3A_517 = arith.subi %add3A_219, %sub3A_516 : i32
        %max3A = arith.constant 0 : i32
        %max3A_518 = arith.maxsi %sub3A_517, %max3A : i32
        %jit3A_519 = arith.constant 2 : i32
        %div3A_520 = arith.divsi %max3A_518, %jit3A_519 : i32
        %sign3A_521 = arith.constant 0 : i32
        %sign3A_522 = arith.cmpi sgt, %max3A_518, %sign3A_521 : i32
        %sign3A_523 = arith.extui %sign3A_522 : i1 to i32
        %sign3A_524 = arith.constant 0 : i32
        %sign3A_525 = arith.cmpi slt, %max3A_518, %sign3A_524 : i32
        %sign3A_526 = arith.extui %sign3A_525 : i1 to i32
        %sign3A_527 = arith.subi %sign3A_523, %sign3A_526 : i32
        %sign3A_528 = arith.constant 0 : i32
        %sign3A_529 = arith.cmpi sgt, %jit3A_519, %sign3A_528 : i32
        %sign3A_530 = arith.extui %sign3A_529 : i1 to i32
        %sign3A_531 = arith.constant 0 : i32
        %sign3A_532 = arith.cmpi slt, %jit3A_519, %sign3A_531 : i32
        %sign3A_533 = arith.extui %sign3A_532 : i1 to i32
        %sign3A_534 = arith.subi %sign3A_530, %sign3A_533 : i32
        %ne3A_535 = arith.cmpi ne, %sign3A_527, %sign3A_534 : i32
        %rem3A_536 = arith.remsi %max3A_518, %jit3A_519 : i32
        %ne3A_537 = arith.constant 0 : i32
        %ne3A_538 = arith.cmpi ne, %rem3A_536, %ne3A_537 : i32
        %and3A_539 = arith.andi %ne3A_535, %ne3A_538 : i1
        %sub3A_540 = arith.constant 1 : i32
        %sub3A_541 = arith.subi %div3A_520, %sub3A_540 : i32
        %select_n3A_542 = arith.select %and3A_539, %sub3A_541, %div3A_520 : i32
        %dma_wait3A_543 = arith.constant 1 : i32
        %dma_wait3A_544 = arith.constant 0 : i32
        %dma_wait3A_545 = arith.constant 0 : i32
        %dma_wait3A_546 = tpu.memref_slice %arg7[%dma_wait3A_543, %dma_wait3A_544, %dma_wait3A_545] : memref<2x104x64xf32, #tpu.memory_space<vmem>> -> memref<1x104x64xf32, #tpu.memory_space<vmem>>
        %dma_wait3A_547 = tpu.memref_squeeze %dma_wait3A_546 : memref<1x104x64xf32, #tpu.memory_space<vmem>> -> memref<104x64xf32, #tpu.memory_space<vmem>>
        %dma_wait3A_548 = arith.constant 0 : i32
        %dma_wait3A_549 = arith.constant 0 : i32
        %dma_wait3A_550 = tpu.memref_slice %arg3[%dma_wait3A_548, %dma_wait3A_549] : memref<10000x64xf32, #tpu.memory_space<hbm>> -> memref<104x64xf32, #tpu.memory_space<hbm>>
        %dma_wait3A_551 = arith.constant 0 : i32
        %dma_wait3A_552 = arith.constant 0 : i32
        %dma_wait3A_553 = tpu.memref_slice %arg7[%dma_wait3A_543, %dma_wait3A_551, %dma_wait3A_552] : memref<2x104x64xf32, #tpu.memory_space<vmem>> -> memref<1x104x64xf32, #tpu.memory_space<vmem>>
        %dma_wait3A_554 = tpu.memref_squeeze %dma_wait3A_553 : memref<1x104x64xf32, #tpu.memory_space<vmem>> -> memref<104x64xf32, #tpu.memory_space<vmem>>
        %dma_wait3A_555 = arith.constant 0 : i32
        %dma_wait3A_556 = arith.constant 0 : i32
        %dma_wait3A_557 = tpu.memref_slice %arg3[%dma_wait3A_555, %dma_wait3A_556] : memref<10000x64xf32, #tpu.memory_space<hbm>> -> memref<104x64xf32, #tpu.memory_space<hbm>>
        tpu.wait_dma2 semaphore(%arg14 : memref<!tpu.dma_semaphore, #tpu.memory_space<semaphore_mem>>) src(%dma_wait3A_557 : memref<104x64xf32, #tpu.memory_space<hbm>>) dst(%dma_wait3A_554 : memref<104x64xf32, #tpu.memory_space<vmem>>)
        %dma_wait3A_558 = arith.constant 1 : i32
        %dma_wait3A_559 = arith.constant 0 : i32
        %dma_wait3A_560 = arith.constant 0 : i32
        %dma_wait3A_561 = tpu.memref_slice %arg8[%dma_wait3A_558, %dma_wait3A_559, %dma_wait3A_560] : memref<2x104x64xf32, #tpu.memory_space<vmem>> -> memref<1x104x64xf32, #tpu.memory_space<vmem>>
        %dma_wait3A_562 = tpu.memref_squeeze %dma_wait3A_561 : memref<1x104x64xf32, #tpu.memory_space<vmem>> -> memref<104x64xf32, #tpu.memory_space<vmem>>
        %dma_wait3A_563 = arith.constant 0 : i32
        %dma_wait3A_564 = arith.constant 0 : i32
        %dma_wait3A_565 = tpu.memref_slice %arg4[%dma_wait3A_563, %dma_wait3A_564] : memref<10000x64xf32, #tpu.memory_space<hbm>> -> memref<104x64xf32, #tpu.memory_space<hbm>>
        %dma_wait3A_566 = arith.constant 0 : i32
        %dma_wait3A_567 = arith.constant 0 : i32
        %dma_wait3A_568 = tpu.memref_slice %arg8[%dma_wait3A_558, %dma_wait3A_566, %dma_wait3A_567] : memref<2x104x64xf32, #tpu.memory_space<vmem>> -> memref<1x104x64xf32, #tpu.memory_space<vmem>>
        %dma_wait3A_569 = tpu.memref_squeeze %dma_wait3A_568 : memref<1x104x64xf32, #tpu.memory_space<vmem>> -> memref<104x64xf32, #tpu.memory_space<vmem>>
        %dma_wait3A_570 = arith.constant 0 : i32
        %dma_wait3A_571 = arith.constant 0 : i32
        %dma_wait3A_572 = tpu.memref_slice %arg4[%dma_wait3A_570, %dma_wait3A_571] : memref<10000x64xf32, #tpu.memory_space<hbm>> -> memref<104x64xf32, #tpu.memory_space<hbm>>
        tpu.wait_dma2 semaphore(%arg14 : memref<!tpu.dma_semaphore, #tpu.memory_space<semaphore_mem>>) src(%dma_wait3A_572 : memref<104x64xf32, #tpu.memory_space<hbm>>) dst(%dma_wait3A_569 : memref<104x64xf32, #tpu.memory_space<vmem>>)
        %add3A_573 = arith.addi %mul3A_2, %select_n3A_542 : i32
        %mul3A_574 = arith.constant 200 : i32
        %mul3A_575 = arith.muli %add3A_573, %mul3A_574 : i32
        %add3A_576 = arith.constant 96 : i32
        %add3A_577 = arith.addi %mul3A_575, %add3A_576 : i32
        %dma_start3A_578 = arith.constant 1 : i32
        %dma_start3A_579 = arith.constant 0 : i32
        %dma_start3A_580 = arith.constant 0 : i32
        %dma_start3A_581 = arith.constant 0 : i32
        %dma_start3A_582 = tpu.memref_slice %arg7[%dma_start3A_578, %dma_start3A_580, %dma_start3A_581] : memref<2x104x64xf32, #tpu.memory_space<vmem>> -> memref<1x104x64xf32, #tpu.memory_space<vmem>>
        %dma_start3A_583 = tpu.memref_squeeze %dma_start3A_582 : memref<1x104x64xf32, #tpu.memory_space<vmem>> -> memref<104x64xf32, #tpu.memory_space<vmem>>
        %dma_start3A_584 = arith.constant 0 : i32
        %dma_start3A_585 = tpu.memref_slice %arg5[%add3A_577, %dma_start3A_579, %dma_start3A_584] : memref<3276800x2x64xf32, #tpu.memory_space<hbm>> -> memref<104x1x64xf32, #tpu.memory_space<hbm>>
        %dma_start3A_586 = tpu.memref_squeeze %dma_start3A_585 : memref<104x1x64xf32, #tpu.memory_space<hbm>> -> memref<104x64xf32, #tpu.memory_space<hbm>>
        %dma_start3A_587 = arith.constant 0 : i32
        %dma_start3A_588 = tpu.memref_slice %arg5[%add3A_577, %dma_start3A_579, %dma_start3A_587] : memref<3276800x2x64xf32, #tpu.memory_space<hbm>> -> memref<104x1x64xf32, #tpu.memory_space<hbm>>
        %dma_start3A_589 = tpu.memref_squeeze %dma_start3A_588 : memref<104x1x64xf32, #tpu.memory_space<hbm>> -> memref<104x64xf32, #tpu.memory_space<hbm>>
        %dma_start3A_590 = arith.constant 0 : i32
        %dma_start3A_591 = arith.constant 0 : i32
        %dma_start3A_592 = tpu.memref_slice %arg7[%dma_start3A_578, %dma_start3A_590, %dma_start3A_591] : memref<2x104x64xf32, #tpu.memory_space<vmem>> -> memref<1x104x64xf32, #tpu.memory_space<vmem>>
        %dma_start3A_593 = tpu.memref_squeeze %dma_start3A_592 : memref<1x104x64xf32, #tpu.memory_space<vmem>> -> memref<104x64xf32, #tpu.memory_space<vmem>>
        tpu.enqueue_dma source(%dma_start3A_593 : memref<104x64xf32, #tpu.memory_space<vmem>>) target(%dma_start3A_589 : memref<104x64xf32, #tpu.memory_space<hbm>>) target_semaphore(%arg16 : memref<!tpu.dma_semaphore, #tpu.memory_space<semaphore_mem>>)
        %add3A_594 = arith.addi %mul3A_2, %select_n3A_542 : i32
        %mul3A_595 = arith.constant 200 : i32
        %mul3A_596 = arith.muli %add3A_594, %mul3A_595 : i32
        %add3A_597 = arith.constant 96 : i32
        %add3A_598 = arith.addi %mul3A_596, %add3A_597 : i32
        %dma_start3A_599 = arith.constant 1 : i32
        %dma_start3A_600 = arith.constant 1 : i32
        %dma_start3A_601 = arith.constant 0 : i32
        %dma_start3A_602 = arith.constant 0 : i32
        %dma_start3A_603 = tpu.memref_slice %arg8[%dma_start3A_599, %dma_start3A_601, %dma_start3A_602] : memref<2x104x64xf32, #tpu.memory_space<vmem>> -> memref<1x104x64xf32, #tpu.memory_space<vmem>>
        %dma_start3A_604 = tpu.memref_squeeze %dma_start3A_603 : memref<1x104x64xf32, #tpu.memory_space<vmem>> -> memref<104x64xf32, #tpu.memory_space<vmem>>
        %dma_start3A_605 = arith.constant 0 : i32
        %dma_start3A_606 = tpu.memref_slice %arg5[%add3A_598, %dma_start3A_600, %dma_start3A_605] : memref<3276800x2x64xf32, #tpu.memory_space<hbm>> -> memref<104x1x64xf32, #tpu.memory_space<hbm>>
        %dma_start3A_607 = tpu.memref_squeeze %dma_start3A_606 : memref<104x1x64xf32, #tpu.memory_space<hbm>> -> memref<104x64xf32, #tpu.memory_space<hbm>>
        %dma_start3A_608 = arith.constant 0 : i32
        %dma_start3A_609 = tpu.memref_slice %arg5[%add3A_598, %dma_start3A_600, %dma_start3A_608] : memref<3276800x2x64xf32, #tpu.memory_space<hbm>> -> memref<104x1x64xf32, #tpu.memory_space<hbm>>
        %dma_start3A_610 = tpu.memref_squeeze %dma_start3A_609 : memref<104x1x64xf32, #tpu.memory_space<hbm>> -> memref<104x64xf32, #tpu.memory_space<hbm>>
        %dma_start3A_611 = arith.constant 0 : i32
        %dma_start3A_612 = arith.constant 0 : i32
        %dma_start3A_613 = tpu.memref_slice %arg8[%dma_start3A_599, %dma_start3A_611, %dma_start3A_612] : memref<2x104x64xf32, #tpu.memory_space<vmem>> -> memref<1x104x64xf32, #tpu.memory_space<vmem>>
        %dma_start3A_614 = tpu.memref_squeeze %dma_start3A_613 : memref<1x104x64xf32, #tpu.memory_space<vmem>> -> memref<104x64xf32, #tpu.memory_space<vmem>>
        tpu.enqueue_dma source(%dma_start3A_614 : memref<104x64xf32, #tpu.memory_space<vmem>>) target(%dma_start3A_610 : memref<104x64xf32, #tpu.memory_space<hbm>>) target_semaphore(%arg18 : memref<!tpu.dma_semaphore, #tpu.memory_space<semaphore_mem>>)
      } else {
      }
      %ge3A_288 = arith.constant 1 : i32
      %ge3A_289 = arith.cmpi sge, %add3A_219, %ge3A_288 : i32
      %sub3A_290 = arith.constant 1 : i32
      %sub3A_291 = arith.subi %add3A_219, %sub3A_290 : i32
      %add3A_292 = arith.constant 4 : i32
      %add3A_293 = arith.addi %sub3A_291, %add3A_292 : i32
      %lt3A = arith.constant 1024 : i32
      %lt3A_294 = arith.cmpi slt, %add3A_293, %lt3A : i32
      %and3A_295 = arith.andi %ge3A_289, %lt3A_294 : i1
      %convert_element_type3A_296 = arith.extui %and3A_295 : i1 to i32
      %cond3A_297 = arith.constant 0 : i32
      %cond3A_298 = arith.cmpi ne, %convert_element_type3A_296, %cond3A_297 : i32
      scf.if %cond3A_298 {
        %sub3A_516 = arith.constant 1 : i32
        %sub3A_517 = arith.subi %add3A_219, %sub3A_516 : i32
        %max3A = arith.constant 0 : i32
        %max3A_518 = arith.maxsi %sub3A_517, %max3A : i32
        %jit3A_519 = arith.constant 2 : i32
        %div3A_520 = arith.divsi %max3A_518, %jit3A_519 : i32
        %sign3A_521 = arith.constant 0 : i32
        %sign3A_522 = arith.cmpi sgt, %max3A_518, %sign3A_521 : i32
        %sign3A_523 = arith.extui %sign3A_522 : i1 to i32
        %sign3A_524 = arith.constant 0 : i32
        %sign3A_525 = arith.cmpi slt, %max3A_518, %sign3A_524 : i32
        %sign3A_526 = arith.extui %sign3A_525 : i1 to i32
        %sign3A_527 = arith.subi %sign3A_523, %sign3A_526 : i32
        %sign3A_528 = arith.constant 0 : i32
        %sign3A_529 = arith.cmpi sgt, %jit3A_519, %sign3A_528 : i32
        %sign3A_530 = arith.extui %sign3A_529 : i1 to i32
        %sign3A_531 = arith.constant 0 : i32
        %sign3A_532 = arith.cmpi slt, %jit3A_519, %sign3A_531 : i32
        %sign3A_533 = arith.extui %sign3A_532 : i1 to i32
        %sign3A_534 = arith.subi %sign3A_530, %sign3A_533 : i32
        %ne3A_535 = arith.cmpi ne, %sign3A_527, %sign3A_534 : i32
        %rem3A_536 = arith.remsi %max3A_518, %jit3A_519 : i32
        %ne3A_537 = arith.constant 0 : i32
        %ne3A_538 = arith.cmpi ne, %rem3A_536, %ne3A_537 : i32
        %and3A_539 = arith.andi %ne3A_535, %ne3A_538 : i1
        %sub3A_540 = arith.constant 1 : i32
        %sub3A_541 = arith.subi %div3A_520, %sub3A_540 : i32
        %select_n3A_542 = arith.select %and3A_539, %sub3A_541, %div3A_520 : i32
        %add3A_543 = arith.constant 2 : i32
        %add3A_544 = arith.addi %select_n3A_542, %add3A_543 : i32
        %add3A_545 = arith.addi %mul3A_2, %add3A_544 : i32
        %dma_start3A_546 = arith.constant 1 : i32
        %dma_start3A_547 = arith.constant 0 : i32
        %dma_start3A_548 = arith.constant 0 : i32
        %dma_start3A_549 = tpu.memref_slice %arg6[%dma_start3A_546, %dma_start3A_547, %dma_start3A_548] : memref<2x2x200xi32, #tpu.memory_space<vmem>> -> memref<1x2x200xi32, #tpu.memory_space<vmem>>
        %dma_start3A_550 = tpu.memref_squeeze %dma_start3A_549 : memref<1x2x200xi32, #tpu.memory_space<vmem>> -> memref<2x200xi32, #tpu.memory_space<vmem>>
        %dma_start3A_551 = arith.constant 0 : i32
        %dma_start3A_552 = arith.constant 0 : i32
        %dma_start3A_553 = tpu.memref_slice %arg2[%add3A_545, %dma_start3A_551, %dma_start3A_552] : memref<16384x2x200xi32, #tpu.memory_space<hbm>> -> memref<1x2x200xi32, #tpu.memory_space<hbm>>
        %dma_start3A_554 = tpu.memref_squeeze %dma_start3A_553 : memref<1x2x200xi32, #tpu.memory_space<hbm>> -> memref<2x200xi32, #tpu.memory_space<hbm>>
        %dma_start3A_555 = arith.constant 0 : i32
        %dma_start3A_556 = arith.constant 0 : i32
        %dma_start3A_557 = tpu.memref_slice %arg6[%dma_start3A_546, %dma_start3A_555, %dma_start3A_556] : memref<2x2x200xi32, #tpu.memory_space<vmem>> -> memref<1x2x200xi32, #tpu.memory_space<vmem>>
        %dma_start3A_558 = tpu.memref_squeeze %dma_start3A_557 : memref<1x2x200xi32, #tpu.memory_space<vmem>> -> memref<2x200xi32, #tpu.memory_space<vmem>>
        %dma_start3A_559 = arith.constant 0 : i32
        %dma_start3A_560 = arith.constant 0 : i32
        %dma_start3A_561 = tpu.memref_slice %arg2[%add3A_545, %dma_start3A_559, %dma_start3A_560] : memref<16384x2x200xi32, #tpu.memory_space<hbm>> -> memref<1x2x200xi32, #tpu.memory_space<hbm>>
        %dma_start3A_562 = tpu.memref_squeeze %dma_start3A_561 : memref<1x2x200xi32, #tpu.memory_space<hbm>> -> memref<2x200xi32, #tpu.memory_space<hbm>>
        tpu.enqueue_dma source(%dma_start3A_562 : memref<2x200xi32, #tpu.memory_space<hbm>>) target(%dma_start3A_558 : memref<2x200xi32, #tpu.memory_space<vmem>>) target_semaphore(%arg12 : memref<!tpu.dma_semaphore, #tpu.memory_space<semaphore_mem>>)
      } else {
      }
      %add3A_299 = arith.constant 1 : i32
      %add3A_300 = arith.addi %add3A_217, %add3A_299 : i32
      %jit3A_301 = arith.constant 2 : i32
      %div3A_302 = arith.divsi %add3A_300, %jit3A_301 : i32
      %sign3A_303 = arith.constant 0 : i32
      %sign3A_304 = arith.cmpi sgt, %add3A_300, %sign3A_303 : i32
      %sign3A_305 = arith.extui %sign3A_304 : i1 to i32
      %sign3A_306 = arith.constant 0 : i32
      %sign3A_307 = arith.cmpi slt, %add3A_300, %sign3A_306 : i32
      %sign3A_308 = arith.extui %sign3A_307 : i1 to i32
      %sign3A_309 = arith.subi %sign3A_305, %sign3A_308 : i32
      %sign3A_310 = arith.constant 0 : i32
      %sign3A_311 = arith.cmpi sgt, %jit3A_301, %sign3A_310 : i32
      %sign3A_312 = arith.extui %sign3A_311 : i1 to i32
      %sign3A_313 = arith.constant 0 : i32
      %sign3A_314 = arith.cmpi slt, %jit3A_301, %sign3A_313 : i32
      %sign3A_315 = arith.extui %sign3A_314 : i1 to i32
      %sign3A_316 = arith.subi %sign3A_312, %sign3A_315 : i32
      %ne3A_317 = arith.cmpi ne, %sign3A_309, %sign3A_316 : i32
      %rem3A_318 = arith.remsi %add3A_300, %jit3A_301 : i32
      %ne3A_319 = arith.constant 0 : i32
      %ne3A_320 = arith.cmpi ne, %rem3A_318, %ne3A_319 : i32
      %and3A_321 = arith.andi %ne3A_317, %ne3A_320 : i1
      %sub3A_322 = arith.constant 1 : i32
      %sub3A_323 = arith.subi %div3A_302, %sub3A_322 : i32
      %select_n3A_324 = arith.select %and3A_321, %sub3A_323, %div3A_302 : i32
      %ge3A_325 = arith.constant 2 : i32
      %ge3A_326 = arith.cmpi sge, %add3A_300, %ge3A_325 : i32
      %convert_element_type3A_327 = arith.extui %ge3A_326 : i1 to i32
      %cond3A_328 = arith.constant 0 : i32
      %cond3A_329 = arith.cmpi ne, %convert_element_type3A_327, %cond3A_328 : i32
      scf.if %cond3A_329 {
        %add3A_516 = arith.constant 0 : i32
        %add3A_517 = arith.addi %mul3A_2, %add3A_516 : i32
        %mul3A_518 = arith.constant 200 : i32
        %mul3A_519 = arith.muli %add3A_517, %mul3A_518 : i32
        %add3A_520 = arith.constant 96 : i32
        %add3A_521 = arith.addi %mul3A_519, %add3A_520 : i32
        %dma_wait3A_522 = arith.constant 1 : i32
        %dma_wait3A_523 = arith.constant 0 : i32
        %dma_wait3A_524 = arith.constant 0 : i32
        %dma_wait3A_525 = arith.constant 0 : i32
        %dma_wait3A_526 = tpu.memref_slice %arg7[%dma_wait3A_522, %dma_wait3A_524, %dma_wait3A_525] : memref<2x104x64xf32, #tpu.memory_space<vmem>> -> memref<1x104x64xf32, #tpu.memory_space<vmem>>
        %dma_wait3A_527 = tpu.memref_squeeze %dma_wait3A_526 : memref<1x104x64xf32, #tpu.memory_space<vmem>> -> memref<104x64xf32, #tpu.memory_space<vmem>>
        %dma_wait3A_528 = arith.constant 0 : i32
        %dma_wait3A_529 = tpu.memref_slice %arg5[%add3A_521, %dma_wait3A_523, %dma_wait3A_528] : memref<3276800x2x64xf32, #tpu.memory_space<hbm>> -> memref<104x1x64xf32, #tpu.memory_space<hbm>>
        %dma_wait3A_530 = tpu.memref_squeeze %dma_wait3A_529 : memref<104x1x64xf32, #tpu.memory_space<hbm>> -> memref<104x64xf32, #tpu.memory_space<hbm>>
        %dma_wait3A_531 = arith.constant 0 : i32
        %dma_wait3A_532 = tpu.memref_slice %arg5[%add3A_521, %dma_wait3A_523, %dma_wait3A_531] : memref<3276800x2x64xf32, #tpu.memory_space<hbm>> -> memref<104x1x64xf32, #tpu.memory_space<hbm>>
        %dma_wait3A_533 = tpu.memref_squeeze %dma_wait3A_532 : memref<104x1x64xf32, #tpu.memory_space<hbm>> -> memref<104x64xf32, #tpu.memory_space<hbm>>
        %dma_wait3A_534 = arith.constant 0 : i32
        %dma_wait3A_535 = arith.constant 0 : i32
        %dma_wait3A_536 = tpu.memref_slice %arg7[%dma_wait3A_522, %dma_wait3A_534, %dma_wait3A_535] : memref<2x104x64xf32, #tpu.memory_space<vmem>> -> memref<1x104x64xf32, #tpu.memory_space<vmem>>
        %dma_wait3A_537 = tpu.memref_squeeze %dma_wait3A_536 : memref<1x104x64xf32, #tpu.memory_space<vmem>> -> memref<104x64xf32, #tpu.memory_space<vmem>>
        tpu.wait_dma2 semaphore(%arg16 : memref<!tpu.dma_semaphore, #tpu.memory_space<semaphore_mem>>) src(%dma_wait3A_537 : memref<104x64xf32, #tpu.memory_space<vmem>>) dst(%dma_wait3A_533 : memref<104x64xf32, #tpu.memory_space<hbm>>)
        %add3A_538 = arith.constant 0 : i32
        %add3A_539 = arith.addi %mul3A_2, %add3A_538 : i32
        %mul3A_540 = arith.constant 200 : i32
        %mul3A_541 = arith.muli %add3A_539, %mul3A_540 : i32
        %add3A_542 = arith.constant 96 : i32
        %add3A_543 = arith.addi %mul3A_541, %add3A_542 : i32
        %dma_wait3A_544 = arith.constant 1 : i32
        %dma_wait3A_545 = arith.constant 1 : i32
        %dma_wait3A_546 = arith.constant 0 : i32
        %dma_wait3A_547 = arith.constant 0 : i32
        %dma_wait3A_548 = tpu.memref_slice %arg8[%dma_wait3A_544, %dma_wait3A_546, %dma_wait3A_547] : memref<2x104x64xf32, #tpu.memory_space<vmem>> -> memref<1x104x64xf32, #tpu.memory_space<vmem>>
        %dma_wait3A_549 = tpu.memref_squeeze %dma_wait3A_548 : memref<1x104x64xf32, #tpu.memory_space<vmem>> -> memref<104x64xf32, #tpu.memory_space<vmem>>
        %dma_wait3A_550 = arith.constant 0 : i32
        %dma_wait3A_551 = tpu.memref_slice %arg5[%add3A_543, %dma_wait3A_545, %dma_wait3A_550] : memref<3276800x2x64xf32, #tpu.memory_space<hbm>> -> memref<104x1x64xf32, #tpu.memory_space<hbm>>
        %dma_wait3A_552 = tpu.memref_squeeze %dma_wait3A_551 : memref<104x1x64xf32, #tpu.memory_space<hbm>> -> memref<104x64xf32, #tpu.memory_space<hbm>>
        %dma_wait3A_553 = arith.constant 0 : i32
        %dma_wait3A_554 = tpu.memref_slice %arg5[%add3A_543, %dma_wait3A_545, %dma_wait3A_553] : memref<3276800x2x64xf32, #tpu.memory_space<hbm>> -> memref<104x1x64xf32, #tpu.memory_space<hbm>>
        %dma_wait3A_555 = tpu.memref_squeeze %dma_wait3A_554 : memref<104x1x64xf32, #tpu.memory_space<hbm>> -> memref<104x64xf32, #tpu.memory_space<hbm>>
        %dma_wait3A_556 = arith.constant 0 : i32
        %dma_wait3A_557 = arith.constant 0 : i32
        %dma_wait3A_558 = tpu.memref_slice %arg8[%dma_wait3A_544, %dma_wait3A_556, %dma_wait3A_557] : memref<2x104x64xf32, #tpu.memory_space<vmem>> -> memref<1x104x64xf32, #tpu.memory_space<vmem>>
        %dma_wait3A_559 = tpu.memref_squeeze %dma_wait3A_558 : memref<1x104x64xf32, #tpu.memory_space<vmem>> -> memref<104x64xf32, #tpu.memory_space<vmem>>
        tpu.wait_dma2 semaphore(%arg18 : memref<!tpu.dma_semaphore, #tpu.memory_space<semaphore_mem>>) src(%dma_wait3A_559 : memref<104x64xf32, #tpu.memory_space<vmem>>) dst(%dma_wait3A_555 : memref<104x64xf32, #tpu.memory_space<hbm>>)
      } else {
      }
      %dma_start3A_330 = arith.constant 0 : i32
      %dma_start3A_331 = arith.constant 0 : i32
      %dma_start3A_332 = arith.constant 1 : i32
      %dma_start3A_333 = arith.constant 0 : i32
      %dma_start3A_334 = arith.constant 0 : i32
      %dma_start3A_335 = tpu.memref_slice %arg7[%dma_start3A_332, %dma_start3A_333, %dma_start3A_334] : memref<2x104x64xf32, #tpu.memory_space<vmem>> -> memref<1x104x64xf32, #tpu.memory_space<vmem>>
      %dma_start3A_336 = tpu.memref_squeeze %dma_start3A_335 : memref<1x104x64xf32, #tpu.memory_space<vmem>> -> memref<104x64xf32, #tpu.memory_space<vmem>>
      %dma_start3A_337 = arith.constant 96 : i32
      %dma_start3A_338 = tpu.memref_slice %arg6[%dma_start3A_330, %dma_start3A_331, %dma_start3A_337] : memref<2x2x200xi32, #tpu.memory_space<vmem>> -> memref<1x1x104xi32, #tpu.memory_space<vmem>>
      %dma_start3A_339 = tpu.memref_squeeze %dma_start3A_338 : memref<1x1x104xi32, #tpu.memory_space<vmem>> -> memref<104xi32, #tpu.memory_space<vmem>>
      %dma_start3A_340 = arith.constant 0 : i32
      %dma_start3A_341 = arith.constant 0 : i32
      %dma_start3A_342 = tpu.memref_slice %arg9[%dma_start3A_340, %dma_start3A_341] : memref<10000x64xf32, #tpu.memory_space<vmem_shared>> -> memref<10000x64xf32, #tpu.memory_space<vmem_shared>>
      tpu.enqueue_indirect_dma source(%dma_start3A_342 : memref<10000x64xf32, #tpu.memory_space<vmem_shared>>) target(%dma_start3A_336 : memref<104x64xf32, #tpu.memory_space<vmem>>) offsets(%dma_start3A_339 : memref<104xi32, #tpu.memory_space<vmem>>) semaphore(%arg14 : memref<!tpu.dma_semaphore, #tpu.memory_space<semaphore_mem>>)
      %dma_start3A_343 = arith.constant 0 : i32
      %dma_start3A_344 = arith.constant 1 : i32
      %dma_start3A_345 = arith.constant 1 : i32
      %dma_start3A_346 = arith.constant 0 : i32
      %dma_start3A_347 = arith.constant 0 : i32
      %dma_start3A_348 = tpu.memref_slice %arg8[%dma_start3A_345, %dma_start3A_346, %dma_start3A_347] : memref<2x104x64xf32, #tpu.memory_space<vmem>> -> memref<1x104x64xf32, #tpu.memory_space<vmem>>
      %dma_start3A_349 = tpu.memref_squeeze %dma_start3A_348 : memref<1x104x64xf32, #tpu.memory_space<vmem>> -> memref<104x64xf32, #tpu.memory_space<vmem>>
      %dma_start3A_350 = arith.constant 96 : i32
      %dma_start3A_351 = tpu.memref_slice %arg6[%dma_start3A_343, %dma_start3A_344, %dma_start3A_350] : memref<2x2x200xi32, #tpu.memory_space<vmem>> -> memref<1x1x104xi32, #tpu.memory_space<vmem>>
      %dma_start3A_352 = tpu.memref_squeeze %dma_start3A_351 : memref<1x1x104xi32, #tpu.memory_space<vmem>> -> memref<104xi32, #tpu.memory_space<vmem>>
      %dma_start3A_353 = arith.constant 0 : i32
      %dma_start3A_354 = arith.constant 0 : i32
      %dma_start3A_355 = tpu.memref_slice %arg10[%dma_start3A_353, %dma_start3A_354] : memref<10000x64xf32, #tpu.memory_space<vmem_shared>> -> memref<10000x64xf32, #tpu.memory_space<vmem_shared>>
      tpu.enqueue_indirect_dma source(%dma_start3A_355 : memref<10000x64xf32, #tpu.memory_space<vmem_shared>>) target(%dma_start3A_349 : memref<104x64xf32, #tpu.memory_space<vmem>>) offsets(%dma_start3A_352 : memref<104xi32, #tpu.memory_space<vmem>>) semaphore(%arg14 : memref<!tpu.dma_semaphore, #tpu.memory_space<semaphore_mem>>)
      %ge3A_356 = arith.constant 1 : i32
      %ge3A_357 = arith.cmpi sge, %add3A_300, %ge3A_356 : i32
      %convert_element_type3A_358 = arith.extui %ge3A_357 : i1 to i32
      %cond3A_359 = arith.constant 0 : i32
      %cond3A_360 = arith.cmpi ne, %convert_element_type3A_358, %cond3A_359 : i32
      scf.if %cond3A_360 {
        %sub3A_516 = arith.constant 1 : i32
        %sub3A_517 = arith.subi %add3A_300, %sub3A_516 : i32
        %max3A = arith.constant 0 : i32
        %max3A_518 = arith.maxsi %sub3A_517, %max3A : i32
        %jit3A_519 = arith.constant 2 : i32
        %div3A_520 = arith.divsi %max3A_518, %jit3A_519 : i32
        %sign3A_521 = arith.constant 0 : i32
        %sign3A_522 = arith.cmpi sgt, %max3A_518, %sign3A_521 : i32
        %sign3A_523 = arith.extui %sign3A_522 : i1 to i32
        %sign3A_524 = arith.constant 0 : i32
        %sign3A_525 = arith.cmpi slt, %max3A_518, %sign3A_524 : i32
        %sign3A_526 = arith.extui %sign3A_525 : i1 to i32
        %sign3A_527 = arith.subi %sign3A_523, %sign3A_526 : i32
        %sign3A_528 = arith.constant 0 : i32
        %sign3A_529 = arith.cmpi sgt, %jit3A_519, %sign3A_528 : i32
        %sign3A_530 = arith.extui %sign3A_529 : i1 to i32
        %sign3A_531 = arith.constant 0 : i32
        %sign3A_532 = arith.cmpi slt, %jit3A_519, %sign3A_531 : i32
        %sign3A_533 = arith.extui %sign3A_532 : i1 to i32
        %sign3A_534 = arith.subi %sign3A_530, %sign3A_533 : i32
        %ne3A_535 = arith.cmpi ne, %sign3A_527, %sign3A_534 : i32
        %rem3A_536 = arith.remsi %max3A_518, %jit3A_519 : i32
        %ne3A_537 = arith.constant 0 : i32
        %ne3A_538 = arith.cmpi ne, %rem3A_536, %ne3A_537 : i32
        %and3A_539 = arith.andi %ne3A_535, %ne3A_538 : i1
        %sub3A_540 = arith.constant 1 : i32
        %sub3A_541 = arith.subi %div3A_520, %sub3A_540 : i32
        %select_n3A_542 = arith.select %and3A_539, %sub3A_541, %div3A_520 : i32
        %dma_wait3A_543 = arith.constant 0 : i32
        %dma_wait3A_544 = arith.constant 0 : i32
        %dma_wait3A_545 = arith.constant 0 : i32
        %dma_wait3A_546 = tpu.memref_slice %arg7[%dma_wait3A_543, %dma_wait3A_544, %dma_wait3A_545] : memref<2x104x64xf32, #tpu.memory_space<vmem>> -> memref<1x96x64xf32, #tpu.memory_space<vmem>>
        %dma_wait3A_547 = tpu.memref_squeeze %dma_wait3A_546 : memref<1x96x64xf32, #tpu.memory_space<vmem>> -> memref<96x64xf32, #tpu.memory_space<vmem>>
        %dma_wait3A_548 = arith.constant 0 : i32
        %dma_wait3A_549 = arith.constant 0 : i32
        %dma_wait3A_550 = tpu.memref_slice %arg3[%dma_wait3A_548, %dma_wait3A_549] : memref<10000x64xf32, #tpu.memory_space<hbm>> -> memref<96x64xf32, #tpu.memory_space<hbm>>
        %dma_wait3A_551 = arith.constant 0 : i32
        %dma_wait3A_552 = arith.constant 0 : i32
        %dma_wait3A_553 = tpu.memref_slice %arg7[%dma_wait3A_543, %dma_wait3A_551, %dma_wait3A_552] : memref<2x104x64xf32, #tpu.memory_space<vmem>> -> memref<1x96x64xf32, #tpu.memory_space<vmem>>
        %dma_wait3A_554 = tpu.memref_squeeze %dma_wait3A_553 : memref<1x96x64xf32, #tpu.memory_space<vmem>> -> memref<96x64xf32, #tpu.memory_space<vmem>>
        %dma_wait3A_555 = arith.constant 0 : i32
        %dma_wait3A_556 = arith.constant 0 : i32
        %dma_wait3A_557 = tpu.memref_slice %arg3[%dma_wait3A_555, %dma_wait3A_556] : memref<10000x64xf32, #tpu.memory_space<hbm>> -> memref<96x64xf32, #tpu.memory_space<hbm>>
        tpu.wait_dma2 semaphore(%arg13 : memref<!tpu.dma_semaphore, #tpu.memory_space<semaphore_mem>>) src(%dma_wait3A_557 : memref<96x64xf32, #tpu.memory_space<hbm>>) dst(%dma_wait3A_554 : memref<96x64xf32, #tpu.memory_space<vmem>>)
        %dma_wait3A_558 = arith.constant 0 : i32
        %dma_wait3A_559 = arith.constant 0 : i32
        %dma_wait3A_560 = arith.constant 0 : i32
        %dma_wait3A_561 = tpu.memref_slice %arg8[%dma_wait3A_558, %dma_wait3A_559, %dma_wait3A_560] : memref<2x104x64xf32, #tpu.memory_space<vmem>> -> memref<1x96x64xf32, #tpu.memory_space<vmem>>
        %dma_wait3A_562 = tpu.memref_squeeze %dma_wait3A_561 : memref<1x96x64xf32, #tpu.memory_space<vmem>> -> memref<96x64xf32, #tpu.memory_space<vmem>>
        %dma_wait3A_563 = arith.constant 0 : i32
        %dma_wait3A_564 = arith.constant 0 : i32
        %dma_wait3A_565 = tpu.memref_slice %arg4[%dma_wait3A_563, %dma_wait3A_564] : memref<10000x64xf32, #tpu.memory_space<hbm>> -> memref<96x64xf32, #tpu.memory_space<hbm>>
        %dma_wait3A_566 = arith.constant 0 : i32
        %dma_wait3A_567 = arith.constant 0 : i32
        %dma_wait3A_568 = tpu.memref_slice %arg8[%dma_wait3A_558, %dma_wait3A_566, %dma_wait3A_567] : memref<2x104x64xf32, #tpu.memory_space<vmem>> -> memref<1x96x64xf32, #tpu.memory_space<vmem>>
        %dma_wait3A_569 = tpu.memref_squeeze %dma_wait3A_568 : memref<1x96x64xf32, #tpu.memory_space<vmem>> -> memref<96x64xf32, #tpu.memory_space<vmem>>
        %dma_wait3A_570 = arith.constant 0 : i32
        %dma_wait3A_571 = arith.constant 0 : i32
        %dma_wait3A_572 = tpu.memref_slice %arg4[%dma_wait3A_570, %dma_wait3A_571] : memref<10000x64xf32, #tpu.memory_space<hbm>> -> memref<96x64xf32, #tpu.memory_space<hbm>>
        tpu.wait_dma2 semaphore(%arg13 : memref<!tpu.dma_semaphore, #tpu.memory_space<semaphore_mem>>) src(%dma_wait3A_572 : memref<96x64xf32, #tpu.memory_space<hbm>>) dst(%dma_wait3A_569 : memref<96x64xf32, #tpu.memory_space<vmem>>)
        %add3A_573 = arith.addi %mul3A_2, %select_n3A_542 : i32
        %mul3A_574 = arith.constant 200 : i32
        %mul3A_575 = arith.muli %add3A_573, %mul3A_574 : i32
        %add3A_576 = arith.constant 0 : i32
        %add3A_577 = arith.addi %mul3A_575, %add3A_576 : i32
        %dma_start3A_578 = arith.constant 0 : i32
        %dma_start3A_579 = arith.constant 0 : i32
        %dma_start3A_580 = arith.constant 0 : i32
        %dma_start3A_581 = arith.constant 0 : i32
        %dma_start3A_582 = tpu.memref_slice %arg7[%dma_start3A_578, %dma_start3A_580, %dma_start3A_581] : memref<2x104x64xf32, #tpu.memory_space<vmem>> -> memref<1x96x64xf32, #tpu.memory_space<vmem>>
        %dma_start3A_583 = tpu.memref_squeeze %dma_start3A_582 : memref<1x96x64xf32, #tpu.memory_space<vmem>> -> memref<96x64xf32, #tpu.memory_space<vmem>>
        %dma_start3A_584 = arith.constant 0 : i32
        %dma_start3A_585 = tpu.memref_slice %arg5[%add3A_577, %dma_start3A_579, %dma_start3A_584] : memref<3276800x2x64xf32, #tpu.memory_space<hbm>> -> memref<96x1x64xf32, #tpu.memory_space<hbm>>
        %dma_start3A_586 = tpu.memref_squeeze %dma_start3A_585 : memref<96x1x64xf32, #tpu.memory_space<hbm>> -> memref<96x64xf32, #tpu.memory_space<hbm>>
        %dma_start3A_587 = arith.constant 0 : i32
        %dma_start3A_588 = tpu.memref_slice %arg5[%add3A_577, %dma_start3A_579, %dma_start3A_587] : memref<3276800x2x64xf32, #tpu.memory_space<hbm>> -> memref<96x1x64xf32, #tpu.memory_space<hbm>>
        %dma_start3A_589 = tpu.memref_squeeze %dma_start3A_588 : memref<96x1x64xf32, #tpu.memory_space<hbm>> -> memref<96x64xf32, #tpu.memory_space<hbm>>
        %dma_start3A_590 = arith.constant 0 : i32
        %dma_start3A_591 = arith.constant 0 : i32
        %dma_start3A_592 = tpu.memref_slice %arg7[%dma_start3A_578, %dma_start3A_590, %dma_start3A_591] : memref<2x104x64xf32, #tpu.memory_space<vmem>> -> memref<1x96x64xf32, #tpu.memory_space<vmem>>
        %dma_start3A_593 = tpu.memref_squeeze %dma_start3A_592 : memref<1x96x64xf32, #tpu.memory_space<vmem>> -> memref<96x64xf32, #tpu.memory_space<vmem>>
        tpu.enqueue_dma source(%dma_start3A_593 : memref<96x64xf32, #tpu.memory_space<vmem>>) target(%dma_start3A_589 : memref<96x64xf32, #tpu.memory_space<hbm>>) target_semaphore(%arg15 : memref<!tpu.dma_semaphore, #tpu.memory_space<semaphore_mem>>)
        %add3A_594 = arith.addi %mul3A_2, %select_n3A_542 : i32
        %mul3A_595 = arith.constant 200 : i32
        %mul3A_596 = arith.muli %add3A_594, %mul3A_595 : i32
        %add3A_597 = arith.constant 0 : i32
        %add3A_598 = arith.addi %mul3A_596, %add3A_597 : i32
        %dma_start3A_599 = arith.constant 0 : i32
        %dma_start3A_600 = arith.constant 1 : i32
        %dma_start3A_601 = arith.constant 0 : i32
        %dma_start3A_602 = arith.constant 0 : i32
        %dma_start3A_603 = tpu.memref_slice %arg8[%dma_start3A_599, %dma_start3A_601, %dma_start3A_602] : memref<2x104x64xf32, #tpu.memory_space<vmem>> -> memref<1x96x64xf32, #tpu.memory_space<vmem>>
        %dma_start3A_604 = tpu.memref_squeeze %dma_start3A_603 : memref<1x96x64xf32, #tpu.memory_space<vmem>> -> memref<96x64xf32, #tpu.memory_space<vmem>>
        %dma_start3A_605 = arith.constant 0 : i32
        %dma_start3A_606 = tpu.memref_slice %arg5[%add3A_598, %dma_start3A_600, %dma_start3A_605] : memref<3276800x2x64xf32, #tpu.memory_space<hbm>> -> memref<96x1x64xf32, #tpu.memory_space<hbm>>
        %dma_start3A_607 = tpu.memref_squeeze %dma_start3A_606 : memref<96x1x64xf32, #tpu.memory_space<hbm>> -> memref<96x64xf32, #tpu.memory_space<hbm>>
        %dma_start3A_608 = arith.constant 0 : i32
        %dma_start3A_609 = tpu.memref_slice %arg5[%add3A_598, %dma_start3A_600, %dma_start3A_608] : memref<3276800x2x64xf32, #tpu.memory_space<hbm>> -> memref<96x1x64xf32, #tpu.memory_space<hbm>>
        %dma_start3A_610 = tpu.memref_squeeze %dma_start3A_609 : memref<96x1x64xf32, #tpu.memory_space<hbm>> -> memref<96x64xf32, #tpu.memory_space<hbm>>
        %dma_start3A_611 = arith.constant 0 : i32
        %dma_start3A_612 = arith.constant 0 : i32
        %dma_start3A_613 = tpu.memref_slice %arg8[%dma_start3A_599, %dma_start3A_611, %dma_start3A_612] : memref<2x104x64xf32, #tpu.memory_space<vmem>> -> memref<1x96x64xf32, #tpu.memory_space<vmem>>
        %dma_start3A_614 = tpu.memref_squeeze %dma_start3A_613 : memref<1x96x64xf32, #tpu.memory_space<vmem>> -> memref<96x64xf32, #tpu.memory_space<vmem>>
        tpu.enqueue_dma source(%dma_start3A_614 : memref<96x64xf32, #tpu.memory_space<vmem>>) target(%dma_start3A_610 : memref<96x64xf32, #tpu.memory_space<hbm>>) target_semaphore(%arg17 : memref<!tpu.dma_semaphore, #tpu.memory_space<semaphore_mem>>)
      } else {
      }
      %add3A_361 = arith.constant 2 : i32
      %add3A_362 = arith.addi %add3A_217, %add3A_361 : i32
      %jit3A_363 = arith.constant 2 : i32
      %div3A_364 = arith.divsi %add3A_362, %jit3A_363 : i32
      %sign3A_365 = arith.constant 0 : i32
      %sign3A_366 = arith.cmpi sgt, %add3A_362, %sign3A_365 : i32
      %sign3A_367 = arith.extui %sign3A_366 : i1 to i32
      %sign3A_368 = arith.constant 0 : i32
      %sign3A_369 = arith.cmpi slt, %add3A_362, %sign3A_368 : i32
      %sign3A_370 = arith.extui %sign3A_369 : i1 to i32
      %sign3A_371 = arith.subi %sign3A_367, %sign3A_370 : i32
      %sign3A_372 = arith.constant 0 : i32
      %sign3A_373 = arith.cmpi sgt, %jit3A_363, %sign3A_372 : i32
      %sign3A_374 = arith.extui %sign3A_373 : i1 to i32
      %sign3A_375 = arith.constant 0 : i32
      %sign3A_376 = arith.cmpi slt, %jit3A_363, %sign3A_375 : i32
      %sign3A_377 = arith.extui %sign3A_376 : i1 to i32
      %sign3A_378 = arith.subi %sign3A_374, %sign3A_377 : i32
      %ne3A_379 = arith.cmpi ne, %sign3A_371, %sign3A_378 : i32
      %rem3A_380 = arith.remsi %add3A_362, %jit3A_363 : i32
      %ne3A_381 = arith.constant 0 : i32
      %ne3A_382 = arith.cmpi ne, %rem3A_380, %ne3A_381 : i32
      %and3A_383 = arith.andi %ne3A_379, %ne3A_382 : i1
      %sub3A_384 = arith.constant 1 : i32
      %sub3A_385 = arith.subi %div3A_364, %sub3A_384 : i32
      %select_n3A_386 = arith.select %and3A_383, %sub3A_385, %div3A_364 : i32
      %add3A_387 = arith.constant 0 : i32
      %add3A_388 = arith.addi %mul3A_2, %add3A_387 : i32
      %dma_wait3A_389 = arith.constant 1 : i32
      %dma_wait3A_390 = arith.constant 0 : i32
      %dma_wait3A_391 = arith.constant 0 : i32
      %dma_wait3A_392 = tpu.memref_slice %arg6[%dma_wait3A_389, %dma_wait3A_390, %dma_wait3A_391] : memref<2x2x200xi32, #tpu.memory_space<vmem>> -> memref<1x2x200xi32, #tpu.memory_space<vmem>>
      %dma_wait3A_393 = tpu.memref_squeeze %dma_wait3A_392 : memref<1x2x200xi32, #tpu.memory_space<vmem>> -> memref<2x200xi32, #tpu.memory_space<vmem>>
      %dma_wait3A_394 = arith.constant 0 : i32
      %dma_wait3A_395 = arith.constant 0 : i32
      %dma_wait3A_396 = tpu.memref_slice %arg2[%add3A_388, %dma_wait3A_394, %dma_wait3A_395] : memref<16384x2x200xi32, #tpu.memory_space<hbm>> -> memref<1x2x200xi32, #tpu.memory_space<hbm>>
      %dma_wait3A_397 = tpu.memref_squeeze %dma_wait3A_396 : memref<1x2x200xi32, #tpu.memory_space<hbm>> -> memref<2x200xi32, #tpu.memory_space<hbm>>
      %dma_wait3A_398 = arith.constant 0 : i32
      %dma_wait3A_399 = arith.constant 0 : i32
      %dma_wait3A_400 = tpu.memref_slice %arg6[%dma_wait3A_389, %dma_wait3A_398, %dma_wait3A_399] : memref<2x2x200xi32, #tpu.memory_space<vmem>> -> memref<1x2x200xi32, #tpu.memory_space<vmem>>
      %dma_wait3A_401 = tpu.memref_squeeze %dma_wait3A_400 : memref<1x2x200xi32, #tpu.memory_space<vmem>> -> memref<2x200xi32, #tpu.memory_space<vmem>>
      %dma_wait3A_402 = arith.constant 0 : i32
      %dma_wait3A_403 = arith.constant 0 : i32
      %dma_wait3A_404 = tpu.memref_slice %arg2[%add3A_388, %dma_wait3A_402, %dma_wait3A_403] : memref<16384x2x200xi32, #tpu.memory_space<hbm>> -> memref<1x2x200xi32, #tpu.memory_space<hbm>>
      %dma_wait3A_405 = tpu.memref_squeeze %dma_wait3A_404 : memref<1x2x200xi32, #tpu.memory_space<hbm>> -> memref<2x200xi32, #tpu.memory_space<hbm>>
      tpu.wait_dma2 semaphore(%arg12 : memref<!tpu.dma_semaphore, #tpu.memory_space<semaphore_mem>>) src(%dma_wait3A_405 : memref<2x200xi32, #tpu.memory_space<hbm>>) dst(%dma_wait3A_401 : memref<2x200xi32, #tpu.memory_space<vmem>>)
      %ge3A_406 = arith.constant 2 : i32
      %ge3A_407 = arith.cmpi sge, %add3A_362, %ge3A_406 : i32
      %convert_element_type3A_408 = arith.extui %ge3A_407 : i1 to i32
      %cond3A_409 = arith.constant 0 : i32
      %cond3A_410 = arith.cmpi ne, %convert_element_type3A_408, %cond3A_409 : i32
      scf.if %cond3A_410 {
        %add3A_516 = arith.constant 0 : i32
        %add3A_517 = arith.addi %mul3A_2, %add3A_516 : i32
        %mul3A_518 = arith.constant 200 : i32
        %mul3A_519 = arith.muli %add3A_517, %mul3A_518 : i32
        %add3A_520 = arith.constant 0 : i32
        %add3A_521 = arith.addi %mul3A_519, %add3A_520 : i32
        %dma_wait3A_522 = arith.constant 0 : i32
        %dma_wait3A_523 = arith.constant 0 : i32
        %dma_wait3A_524 = arith.constant 0 : i32
        %dma_wait3A_525 = arith.constant 0 : i32
        %dma_wait3A_526 = tpu.memref_slice %arg7[%dma_wait3A_522, %dma_wait3A_524, %dma_wait3A_525] : memref<2x104x64xf32, #tpu.memory_space<vmem>> -> memref<1x96x64xf32, #tpu.memory_space<vmem>>
        %dma_wait3A_527 = tpu.memref_squeeze %dma_wait3A_526 : memref<1x96x64xf32, #tpu.memory_space<vmem>> -> memref<96x64xf32, #tpu.memory_space<vmem>>
        %dma_wait3A_528 = arith.constant 0 : i32
        %dma_wait3A_529 = tpu.memref_slice %arg5[%add3A_521, %dma_wait3A_523, %dma_wait3A_528] : memref<3276800x2x64xf32, #tpu.memory_space<hbm>> -> memref<96x1x64xf32, #tpu.memory_space<hbm>>
        %dma_wait3A_530 = tpu.memref_squeeze %dma_wait3A_529 : memref<96x1x64xf32, #tpu.memory_space<hbm>> -> memref<96x64xf32, #tpu.memory_space<hbm>>
        %dma_wait3A_531 = arith.constant 0 : i32
        %dma_wait3A_532 = tpu.memref_slice %arg5[%add3A_521, %dma_wait3A_523, %dma_wait3A_531] : memref<3276800x2x64xf32, #tpu.memory_space<hbm>> -> memref<96x1x64xf32, #tpu.memory_space<hbm>>
        %dma_wait3A_533 = tpu.memref_squeeze %dma_wait3A_532 : memref<96x1x64xf32, #tpu.memory_space<hbm>> -> memref<96x64xf32, #tpu.memory_space<hbm>>
        %dma_wait3A_534 = arith.constant 0 : i32
        %dma_wait3A_535 = arith.constant 0 : i32
        %dma_wait3A_536 = tpu.memref_slice %arg7[%dma_wait3A_522, %dma_wait3A_534, %dma_wait3A_535] : memref<2x104x64xf32, #tpu.memory_space<vmem>> -> memref<1x96x64xf32, #tpu.memory_space<vmem>>
        %dma_wait3A_537 = tpu.memref_squeeze %dma_wait3A_536 : memref<1x96x64xf32, #tpu.memory_space<vmem>> -> memref<96x64xf32, #tpu.memory_space<vmem>>
        tpu.wait_dma2 semaphore(%arg15 : memref<!tpu.dma_semaphore, #tpu.memory_space<semaphore_mem>>) src(%dma_wait3A_537 : memref<96x64xf32, #tpu.memory_space<vmem>>) dst(%dma_wait3A_533 : memref<96x64xf32, #tpu.memory_space<hbm>>)
        %add3A_538 = arith.constant 0 : i32
        %add3A_539 = arith.addi %mul3A_2, %add3A_538 : i32
        %mul3A_540 = arith.constant 200 : i32
        %mul3A_541 = arith.muli %add3A_539, %mul3A_540 : i32
        %add3A_542 = arith.constant 0 : i32
        %add3A_543 = arith.addi %mul3A_541, %add3A_542 : i32
        %dma_wait3A_544 = arith.constant 0 : i32
        %dma_wait3A_545 = arith.constant 1 : i32
        %dma_wait3A_546 = arith.constant 0 : i32
        %dma_wait3A_547 = arith.constant 0 : i32
        %dma_wait3A_548 = tpu.memref_slice %arg8[%dma_wait3A_544, %dma_wait3A_546, %dma_wait3A_547] : memref<2x104x64xf32, #tpu.memory_space<vmem>> -> memref<1x96x64xf32, #tpu.memory_space<vmem>>
        %dma_wait3A_549 = tpu.memref_squeeze %dma_wait3A_548 : memref<1x96x64xf32, #tpu.memory_space<vmem>> -> memref<96x64xf32, #tpu.memory_space<vmem>>
        %dma_wait3A_550 = arith.constant 0 : i32
        %dma_wait3A_551 = tpu.memref_slice %arg5[%add3A_543, %dma_wait3A_545, %dma_wait3A_550] : memref<3276800x2x64xf32, #tpu.memory_space<hbm>> -> memref<96x1x64xf32, #tpu.memory_space<hbm>>
        %dma_wait3A_552 = tpu.memref_squeeze %dma_wait3A_551 : memref<96x1x64xf32, #tpu.memory_space<hbm>> -> memref<96x64xf32, #tpu.memory_space<hbm>>
        %dma_wait3A_553 = arith.constant 0 : i32
        %dma_wait3A_554 = tpu.memref_slice %arg5[%add3A_543, %dma_wait3A_545, %dma_wait3A_553] : memref<3276800x2x64xf32, #tpu.memory_space<hbm>> -> memref<96x1x64xf32, #tpu.memory_space<hbm>>
        %dma_wait3A_555 = tpu.memref_squeeze %dma_wait3A_554 : memref<96x1x64xf32, #tpu.memory_space<hbm>> -> memref<96x64xf32, #tpu.memory_space<hbm>>
        %dma_wait3A_556 = arith.constant 0 : i32
        %dma_wait3A_557 = arith.constant 0 : i32
        %dma_wait3A_558 = tpu.memref_slice %arg8[%dma_wait3A_544, %dma_wait3A_556, %dma_wait3A_557] : memref<2x104x64xf32, #tpu.memory_space<vmem>> -> memref<1x96x64xf32, #tpu.memory_space<vmem>>
        %dma_wait3A_559 = tpu.memref_squeeze %dma_wait3A_558 : memref<1x96x64xf32, #tpu.memory_space<vmem>> -> memref<96x64xf32, #tpu.memory_space<vmem>>
        tpu.wait_dma2 semaphore(%arg17 : memref<!tpu.dma_semaphore, #tpu.memory_space<semaphore_mem>>) src(%dma_wait3A_559 : memref<96x64xf32, #tpu.memory_space<vmem>>) dst(%dma_wait3A_555 : memref<96x64xf32, #tpu.memory_space<hbm>>)
      } else {
      }
      %dma_start3A_411 = arith.constant 1 : i32
      %dma_start3A_412 = arith.constant 0 : i32
      %dma_start3A_413 = arith.constant 0 : i32
      %dma_start3A_414 = arith.constant 0 : i32
      %dma_start3A_415 = arith.constant 0 : i32
      %dma_start3A_416 = tpu.memref_slice %arg7[%dma_start3A_413, %dma_start3A_414, %dma_start3A_415] : memref<2x104x64xf32, #tpu.memory_space<vmem>> -> memref<1x96x64xf32, #tpu.memory_space<vmem>>
      %dma_start3A_417 = tpu.memref_squeeze %dma_start3A_416 : memref<1x96x64xf32, #tpu.memory_space<vmem>> -> memref<96x64xf32, #tpu.memory_space<vmem>>
      %dma_start3A_418 = arith.constant 0 : i32
      %dma_start3A_419 = tpu.memref_slice %arg6[%dma_start3A_411, %dma_start3A_412, %dma_start3A_418] : memref<2x2x200xi32, #tpu.memory_space<vmem>> -> memref<1x1x96xi32, #tpu.memory_space<vmem>>
      %dma_start3A_420 = tpu.memref_squeeze %dma_start3A_419 : memref<1x1x96xi32, #tpu.memory_space<vmem>> -> memref<96xi32, #tpu.memory_space<vmem>>
      %dma_start3A_421 = arith.constant 0 : i32
      %dma_start3A_422 = arith.constant 0 : i32
      %dma_start3A_423 = tpu.memref_slice %arg9[%dma_start3A_421, %dma_start3A_422] : memref<10000x64xf32, #tpu.memory_space<vmem_shared>> -> memref<10000x64xf32, #tpu.memory_space<vmem_shared>>
      tpu.enqueue_indirect_dma source(%dma_start3A_423 : memref<10000x64xf32, #tpu.memory_space<vmem_shared>>) target(%dma_start3A_417 : memref<96x64xf32, #tpu.memory_space<vmem>>) offsets(%dma_start3A_420 : memref<96xi32, #tpu.memory_space<vmem>>) semaphore(%arg13 : memref<!tpu.dma_semaphore, #tpu.memory_space<semaphore_mem>>)
      %dma_start3A_424 = arith.constant 1 : i32
      %dma_start3A_425 = arith.constant 1 : i32
      %dma_start3A_426 = arith.constant 0 : i32
      %dma_start3A_427 = arith.constant 0 : i32
      %dma_start3A_428 = arith.constant 0 : i32
      %dma_start3A_429 = tpu.memref_slice %arg8[%dma_start3A_426, %dma_start3A_427, %dma_start3A_428] : memref<2x104x64xf32, #tpu.memory_space<vmem>> -> memref<1x96x64xf32, #tpu.memory_space<vmem>>
      %dma_start3A_430 = tpu.memref_squeeze %dma_start3A_429 : memref<1x96x64xf32, #tpu.memory_space<vmem>> -> memref<96x64xf32, #tpu.memory_space<vmem>>
      %dma_start3A_431 = arith.constant 0 : i32
      %dma_start3A_432 = tpu.memref_slice %arg6[%dma_start3A_424, %dma_start3A_425, %dma_start3A_431] : memref<2x2x200xi32, #tpu.memory_space<vmem>> -> memref<1x1x96xi32, #tpu.memory_space<vmem>>
      %dma_start3A_433 = tpu.memref_squeeze %dma_start3A_432 : memref<1x1x96xi32, #tpu.memory_space<vmem>> -> memref<96xi32, #tpu.memory_space<vmem>>
      %dma_start3A_434 = arith.constant 0 : i32
      %dma_start3A_435 = arith.constant 0 : i32
      %dma_start3A_436 = tpu.memref_slice %arg10[%dma_start3A_434, %dma_start3A_435] : memref<10000x64xf32, #tpu.memory_space<vmem_shared>> -> memref<10000x64xf32, #tpu.memory_space<vmem_shared>>
      tpu.enqueue_indirect_dma source(%dma_start3A_436 : memref<10000x64xf32, #tpu.memory_space<vmem_shared>>) target(%dma_start3A_430 : memref<96x64xf32, #tpu.memory_space<vmem>>) offsets(%dma_start3A_433 : memref<96xi32, #tpu.memory_space<vmem>>) semaphore(%arg13 : memref<!tpu.dma_semaphore, #tpu.memory_space<semaphore_mem>>)
      %ge3A_437 = arith.constant 1 : i32
      %ge3A_438 = arith.cmpi sge, %add3A_362, %ge3A_437 : i32
      %convert_element_type3A_439 = arith.extui %ge3A_438 : i1 to i32
      %cond3A_440 = arith.constant 0 : i32
      %cond3A_441 = arith.cmpi ne, %convert_element_type3A_439, %cond3A_440 : i32
      scf.if %cond3A_441 {
        %sub3A_516 = arith.constant 1 : i32
        %sub3A_517 = arith.subi %add3A_362, %sub3A_516 : i32
        %max3A = arith.constant 0 : i32
        %max3A_518 = arith.maxsi %sub3A_517, %max3A : i32
        %jit3A_519 = arith.constant 2 : i32
        %div3A_520 = arith.divsi %max3A_518, %jit3A_519 : i32
        %sign3A_521 = arith.constant 0 : i32
        %sign3A_522 = arith.cmpi sgt, %max3A_518, %sign3A_521 : i32
        %sign3A_523 = arith.extui %sign3A_522 : i1 to i32
        %sign3A_524 = arith.constant 0 : i32
        %sign3A_525 = arith.cmpi slt, %max3A_518, %sign3A_524 : i32
        %sign3A_526 = arith.extui %sign3A_525 : i1 to i32
        %sign3A_527 = arith.subi %sign3A_523, %sign3A_526 : i32
        %sign3A_528 = arith.constant 0 : i32
        %sign3A_529 = arith.cmpi sgt, %jit3A_519, %sign3A_528 : i32
        %sign3A_530 = arith.extui %sign3A_529 : i1 to i32
        %sign3A_531 = arith.constant 0 : i32
        %sign3A_532 = arith.cmpi slt, %jit3A_519, %sign3A_531 : i32
        %sign3A_533 = arith.extui %sign3A_532 : i1 to i32
        %sign3A_534 = arith.subi %sign3A_530, %sign3A_533 : i32
        %ne3A_535 = arith.cmpi ne, %sign3A_527, %sign3A_534 : i32
        %rem3A_536 = arith.remsi %max3A_518, %jit3A_519 : i32
        %ne3A_537 = arith.constant 0 : i32
        %ne3A_538 = arith.cmpi ne, %rem3A_536, %ne3A_537 : i32
        %and3A_539 = arith.andi %ne3A_535, %ne3A_538 : i1
        %sub3A_540 = arith.constant 1 : i32
        %sub3A_541 = arith.subi %div3A_520, %sub3A_540 : i32
        %select_n3A_542 = arith.select %and3A_539, %sub3A_541, %div3A_520 : i32
        %dma_wait3A_543 = arith.constant 1 : i32
        %dma_wait3A_544 = arith.constant 0 : i32
        %dma_wait3A_545 = arith.constant 0 : i32
        %dma_wait3A_546 = tpu.memref_slice %arg7[%dma_wait3A_543, %dma_wait3A_544, %dma_wait3A_545] : memref<2x104x64xf32, #tpu.memory_space<vmem>> -> memref<1x104x64xf32, #tpu.memory_space<vmem>>
        %dma_wait3A_547 = tpu.memref_squeeze %dma_wait3A_546 : memref<1x104x64xf32, #tpu.memory_space<vmem>> -> memref<104x64xf32, #tpu.memory_space<vmem>>
        %dma_wait3A_548 = arith.constant 0 : i32
        %dma_wait3A_549 = arith.constant 0 : i32
        %dma_wait3A_550 = tpu.memref_slice %arg3[%dma_wait3A_548, %dma_wait3A_549] : memref<10000x64xf32, #tpu.memory_space<hbm>> -> memref<104x64xf32, #tpu.memory_space<hbm>>
        %dma_wait3A_551 = arith.constant 0 : i32
        %dma_wait3A_552 = arith.constant 0 : i32
        %dma_wait3A_553 = tpu.memref_slice %arg7[%dma_wait3A_543, %dma_wait3A_551, %dma_wait3A_552] : memref<2x104x64xf32, #tpu.memory_space<vmem>> -> memref<1x104x64xf32, #tpu.memory_space<vmem>>
        %dma_wait3A_554 = tpu.memref_squeeze %dma_wait3A_553 : memref<1x104x64xf32, #tpu.memory_space<vmem>> -> memref<104x64xf32, #tpu.memory_space<vmem>>
        %dma_wait3A_555 = arith.constant 0 : i32
        %dma_wait3A_556 = arith.constant 0 : i32
        %dma_wait3A_557 = tpu.memref_slice %arg3[%dma_wait3A_555, %dma_wait3A_556] : memref<10000x64xf32, #tpu.memory_space<hbm>> -> memref<104x64xf32, #tpu.memory_space<hbm>>
        tpu.wait_dma2 semaphore(%arg14 : memref<!tpu.dma_semaphore, #tpu.memory_space<semaphore_mem>>) src(%dma_wait3A_557 : memref<104x64xf32, #tpu.memory_space<hbm>>) dst(%dma_wait3A_554 : memref<104x64xf32, #tpu.memory_space<vmem>>)
        %dma_wait3A_558 = arith.constant 1 : i32
        %dma_wait3A_559 = arith.constant 0 : i32
        %dma_wait3A_560 = arith.constant 0 : i32
        %dma_wait3A_561 = tpu.memref_slice %arg8[%dma_wait3A_558, %dma_wait3A_559, %dma_wait3A_560] : memref<2x104x64xf32, #tpu.memory_space<vmem>> -> memref<1x104x64xf32, #tpu.memory_space<vmem>>
        %dma_wait3A_562 = tpu.memref_squeeze %dma_wait3A_561 : memref<1x104x64xf32, #tpu.memory_space<vmem>> -> memref<104x64xf32, #tpu.memory_space<vmem>>
        %dma_wait3A_563 = arith.constant 0 : i32
        %dma_wait3A_564 = arith.constant 0 : i32
        %dma_wait3A_565 = tpu.memref_slice %arg4[%dma_wait3A_563, %dma_wait3A_564] : memref<10000x64xf32, #tpu.memory_space<hbm>> -> memref<104x64xf32, #tpu.memory_space<hbm>>
        %dma_wait3A_566 = arith.constant 0 : i32
        %dma_wait3A_567 = arith.constant 0 : i32
        %dma_wait3A_568 = tpu.memref_slice %arg8[%dma_wait3A_558, %dma_wait3A_566, %dma_wait3A_567] : memref<2x104x64xf32, #tpu.memory_space<vmem>> -> memref<1x104x64xf32, #tpu.memory_space<vmem>>
        %dma_wait3A_569 = tpu.memref_squeeze %dma_wait3A_568 : memref<1x104x64xf32, #tpu.memory_space<vmem>> -> memref<104x64xf32, #tpu.memory_space<vmem>>
        %dma_wait3A_570 = arith.constant 0 : i32
        %dma_wait3A_571 = arith.constant 0 : i32
        %dma_wait3A_572 = tpu.memref_slice %arg4[%dma_wait3A_570, %dma_wait3A_571] : memref<10000x64xf32, #tpu.memory_space<hbm>> -> memref<104x64xf32, #tpu.memory_space<hbm>>
        tpu.wait_dma2 semaphore(%arg14 : memref<!tpu.dma_semaphore, #tpu.memory_space<semaphore_mem>>) src(%dma_wait3A_572 : memref<104x64xf32, #tpu.memory_space<hbm>>) dst(%dma_wait3A_569 : memref<104x64xf32, #tpu.memory_space<vmem>>)
        %add3A_573 = arith.addi %mul3A_2, %select_n3A_542 : i32
        %mul3A_574 = arith.constant 200 : i32
        %mul3A_575 = arith.muli %add3A_573, %mul3A_574 : i32
        %add3A_576 = arith.constant 96 : i32
        %add3A_577 = arith.addi %mul3A_575, %add3A_576 : i32
        %dma_start3A_578 = arith.constant 1 : i32
        %dma_start3A_579 = arith.constant 0 : i32
        %dma_start3A_580 = arith.constant 0 : i32
        %dma_start3A_581 = arith.constant 0 : i32
        %dma_start3A_582 = tpu.memref_slice %arg7[%dma_start3A_578, %dma_start3A_580, %dma_start3A_581] : memref<2x104x64xf32, #tpu.memory_space<vmem>> -> memref<1x104x64xf32, #tpu.memory_space<vmem>>
        %dma_start3A_583 = tpu.memref_squeeze %dma_start3A_582 : memref<1x104x64xf32, #tpu.memory_space<vmem>> -> memref<104x64xf32, #tpu.memory_space<vmem>>
        %dma_start3A_584 = arith.constant 0 : i32
        %dma_start3A_585 = tpu.memref_slice %arg5[%add3A_577, %dma_start3A_579, %dma_start3A_584] : memref<3276800x2x64xf32, #tpu.memory_space<hbm>> -> memref<104x1x64xf32, #tpu.memory_space<hbm>>
        %dma_start3A_586 = tpu.memref_squeeze %dma_start3A_585 : memref<104x1x64xf32, #tpu.memory_space<hbm>> -> memref<104x64xf32, #tpu.memory_space<hbm>>
        %dma_start3A_587 = arith.constant 0 : i32
        %dma_start3A_588 = tpu.memref_slice %arg5[%add3A_577, %dma_start3A_579, %dma_start3A_587] : memref<3276800x2x64xf32, #tpu.memory_space<hbm>> -> memref<104x1x64xf32, #tpu.memory_space<hbm>>
        %dma_start3A_589 = tpu.memref_squeeze %dma_start3A_588 : memref<104x1x64xf32, #tpu.memory_space<hbm>> -> memref<104x64xf32, #tpu.memory_space<hbm>>
        %dma_start3A_590 = arith.constant 0 : i32
        %dma_start3A_591 = arith.constant 0 : i32
        %dma_start3A_592 = tpu.memref_slice %arg7[%dma_start3A_578, %dma_start3A_590, %dma_start3A_591] : memref<2x104x64xf32, #tpu.memory_space<vmem>> -> memref<1x104x64xf32, #tpu.memory_space<vmem>>
        %dma_start3A_593 = tpu.memref_squeeze %dma_start3A_592 : memref<1x104x64xf32, #tpu.memory_space<vmem>> -> memref<104x64xf32, #tpu.memory_space<vmem>>
        tpu.enqueue_dma source(%dma_start3A_593 : memref<104x64xf32, #tpu.memory_space<vmem>>) target(%dma_start3A_589 : memref<104x64xf32, #tpu.memory_space<hbm>>) target_semaphore(%arg16 : memref<!tpu.dma_semaphore, #tpu.memory_space<semaphore_mem>>)
        %add3A_594 = arith.addi %mul3A_2, %select_n3A_542 : i32
        %mul3A_595 = arith.constant 200 : i32
        %mul3A_596 = arith.muli %add3A_594, %mul3A_595 : i32
        %add3A_597 = arith.constant 96 : i32
        %add3A_598 = arith.addi %mul3A_596, %add3A_597 : i32
        %dma_start3A_599 = arith.constant 1 : i32
        %dma_start3A_600 = arith.constant 1 : i32
        %dma_start3A_601 = arith.constant 0 : i32
        %dma_start3A_602 = arith.constant 0 : i32
        %dma_start3A_603 = tpu.memref_slice %arg8[%dma_start3A_599, %dma_start3A_601, %dma_start3A_602] : memref<2x104x64xf32, #tpu.memory_space<vmem>> -> memref<1x104x64xf32, #tpu.memory_space<vmem>>
        %dma_start3A_604 = tpu.memref_squeeze %dma_start3A_603 : memref<1x104x64xf32, #tpu.memory_space<vmem>> -> memref<104x64xf32, #tpu.memory_space<vmem>>
        %dma_start3A_605 = arith.constant 0 : i32
        %dma_start3A_606 = tpu.memref_slice %arg5[%add3A_598, %dma_start3A_600, %dma_start3A_605] : memref<3276800x2x64xf32, #tpu.memory_space<hbm>> -> memref<104x1x64xf32, #tpu.memory_space<hbm>>
        %dma_start3A_607 = tpu.memref_squeeze %dma_start3A_606 : memref<104x1x64xf32, #tpu.memory_space<hbm>> -> memref<104x64xf32, #tpu.memory_space<hbm>>
        %dma_start3A_608 = arith.constant 0 : i32
        %dma_start3A_609 = tpu.memref_slice %arg5[%add3A_598, %dma_start3A_600, %dma_start3A_608] : memref<3276800x2x64xf32, #tpu.memory_space<hbm>> -> memref<104x1x64xf32, #tpu.memory_space<hbm>>
        %dma_start3A_610 = tpu.memref_squeeze %dma_start3A_609 : memref<104x1x64xf32, #tpu.memory_space<hbm>> -> memref<104x64xf32, #tpu.memory_space<hbm>>
        %dma_start3A_611 = arith.constant 0 : i32
        %dma_start3A_612 = arith.constant 0 : i32
        %dma_start3A_613 = tpu.memref_slice %arg8[%dma_start3A_599, %dma_start3A_611, %dma_start3A_612] : memref<2x104x64xf32, #tpu.memory_space<vmem>> -> memref<1x104x64xf32, #tpu.memory_space<vmem>>
        %dma_start3A_614 = tpu.memref_squeeze %dma_start3A_613 : memref<1x104x64xf32, #tpu.memory_space<vmem>> -> memref<104x64xf32, #tpu.memory_space<vmem>>
        tpu.enqueue_dma source(%dma_start3A_614 : memref<104x64xf32, #tpu.memory_space<vmem>>) target(%dma_start3A_610 : memref<104x64xf32, #tpu.memory_space<hbm>>) target_semaphore(%arg18 : memref<!tpu.dma_semaphore, #tpu.memory_space<semaphore_mem>>)
      } else {
      }
      %ge3A_442 = arith.constant 1 : i32
      %ge3A_443 = arith.cmpi sge, %add3A_362, %ge3A_442 : i32
      %sub3A_444 = arith.constant 1 : i32
      %sub3A_445 = arith.subi %add3A_362, %sub3A_444 : i32
      %add3A_446 = arith.constant 4 : i32
      %add3A_447 = arith.addi %sub3A_445, %add3A_446 : i32
      %lt3A_448 = arith.constant 1024 : i32
      %lt3A_449 = arith.cmpi slt, %add3A_447, %lt3A_448 : i32
      %and3A_450 = arith.andi %ge3A_443, %lt3A_449 : i1
      %convert_element_type3A_451 = arith.extui %and3A_450 : i1 to i32
      %cond3A_452 = arith.constant 0 : i32
      %cond3A_453 = arith.cmpi ne, %convert_element_type3A_451, %cond3A_452 : i32
      scf.if %cond3A_453 {
        %sub3A_516 = arith.constant 1 : i32
        %sub3A_517 = arith.subi %add3A_362, %sub3A_516 : i32
        %max3A = arith.constant 0 : i32
        %max3A_518 = arith.maxsi %sub3A_517, %max3A : i32
        %jit3A_519 = arith.constant 2 : i32
        %div3A_520 = arith.divsi %max3A_518, %jit3A_519 : i32
        %sign3A_521 = arith.constant 0 : i32
        %sign3A_522 = arith.cmpi sgt, %max3A_518, %sign3A_521 : i32
        %sign3A_523 = arith.extui %sign3A_522 : i1 to i32
        %sign3A_524 = arith.constant 0 : i32
        %sign3A_525 = arith.cmpi slt, %max3A_518, %sign3A_524 : i32
        %sign3A_526 = arith.extui %sign3A_525 : i1 to i32
        %sign3A_527 = arith.subi %sign3A_523, %sign3A_526 : i32
        %sign3A_528 = arith.constant 0 : i32
        %sign3A_529 = arith.cmpi sgt, %jit3A_519, %sign3A_528 : i32
        %sign3A_530 = arith.extui %sign3A_529 : i1 to i32
        %sign3A_531 = arith.constant 0 : i32
        %sign3A_532 = arith.cmpi slt, %jit3A_519, %sign3A_531 : i32
        %sign3A_533 = arith.extui %sign3A_532 : i1 to i32
        %sign3A_534 = arith.subi %sign3A_530, %sign3A_533 : i32
        %ne3A_535 = arith.cmpi ne, %sign3A_527, %sign3A_534 : i32
        %rem3A_536 = arith.remsi %max3A_518, %jit3A_519 : i32
        %ne3A_537 = arith.constant 0 : i32
        %ne3A_538 = arith.cmpi ne, %rem3A_536, %ne3A_537 : i32
        %and3A_539 = arith.andi %ne3A_535, %ne3A_538 : i1
        %sub3A_540 = arith.constant 1 : i32
        %sub3A_541 = arith.subi %div3A_520, %sub3A_540 : i32
        %select_n3A_542 = arith.select %and3A_539, %sub3A_541, %div3A_520 : i32
        %add3A_543 = arith.constant 2 : i32
        %add3A_544 = arith.addi %select_n3A_542, %add3A_543 : i32
        %add3A_545 = arith.addi %mul3A_2, %add3A_544 : i32
        %dma_start3A_546 = arith.constant 0 : i32
        %dma_start3A_547 = arith.constant 0 : i32
        %dma_start3A_548 = arith.constant 0 : i32
        %dma_start3A_549 = tpu.memref_slice %arg6[%dma_start3A_546, %dma_start3A_547, %dma_start3A_548] : memref<2x2x200xi32, #tpu.memory_space<vmem>> -> memref<1x2x200xi32, #tpu.memory_space<vmem>>
        %dma_start3A_550 = tpu.memref_squeeze %dma_start3A_549 : memref<1x2x200xi32, #tpu.memory_space<vmem>> -> memref<2x200xi32, #tpu.memory_space<vmem>>
        %dma_start3A_551 = arith.constant 0 : i32
        %dma_start3A_552 = arith.constant 0 : i32
        %dma_start3A_553 = tpu.memref_slice %arg2[%add3A_545, %dma_start3A_551, %dma_start3A_552] : memref<16384x2x200xi32, #tpu.memory_space<hbm>> -> memref<1x2x200xi32, #tpu.memory_space<hbm>>
        %dma_start3A_554 = tpu.memref_squeeze %dma_start3A_553 : memref<1x2x200xi32, #tpu.memory_space<hbm>> -> memref<2x200xi32, #tpu.memory_space<hbm>>
        %dma_start3A_555 = arith.constant 0 : i32
        %dma_start3A_556 = arith.constant 0 : i32
        %dma_start3A_557 = tpu.memref_slice %arg6[%dma_start3A_546, %dma_start3A_555, %dma_start3A_556] : memref<2x2x200xi32, #tpu.memory_space<vmem>> -> memref<1x2x200xi32, #tpu.memory_space<vmem>>
        %dma_start3A_558 = tpu.memref_squeeze %dma_start3A_557 : memref<1x2x200xi32, #tpu.memory_space<vmem>> -> memref<2x200xi32, #tpu.memory_space<vmem>>
        %dma_start3A_559 = arith.constant 0 : i32
        %dma_start3A_560 = arith.constant 0 : i32
        %dma_start3A_561 = tpu.memref_slice %arg2[%add3A_545, %dma_start3A_559, %dma_start3A_560] : memref<16384x2x200xi32, #tpu.memory_space<hbm>> -> memref<1x2x200xi32, #tpu.memory_space<hbm>>
        %dma_start3A_562 = tpu.memref_squeeze %dma_start3A_561 : memref<1x2x200xi32, #tpu.memory_space<hbm>> -> memref<2x200xi32, #tpu.memory_space<hbm>>
        tpu.enqueue_dma source(%dma_start3A_562 : memref<2x200xi32, #tpu.memory_space<hbm>>) target(%dma_start3A_558 : memref<2x200xi32, #tpu.memory_space<vmem>>) target_semaphore(%arg11 : memref<!tpu.dma_semaphore, #tpu.memory_space<semaphore_mem>>)
      } else {
      }
      %add3A_454 = arith.constant 3 : i32
      %add3A_455 = arith.addi %add3A_217, %add3A_454 : i32
      %jit3A_456 = arith.constant 2 : i32
      %div3A_457 = arith.divsi %add3A_455, %jit3A_456 : i32
      %sign3A_458 = arith.constant 0 : i32
      %sign3A_459 = arith.cmpi sgt, %add3A_455, %sign3A_458 : i32
      %sign3A_460 = arith.extui %sign3A_459 : i1 to i32
      %sign3A_461 = arith.constant 0 : i32
      %sign3A_462 = arith.cmpi slt, %add3A_455, %sign3A_461 : i32
      %sign3A_463 = arith.extui %sign3A_462 : i1 to i32
      %sign3A_464 = arith.subi %sign3A_460, %sign3A_463 : i32
      %sign3A_465 = arith.constant 0 : i32
      %sign3A_466 = arith.cmpi sgt, %jit3A_456, %sign3A_465 : i32
      %sign3A_467 = arith.extui %sign3A_466 : i1 to i32
      %sign3A_468 = arith.constant 0 : i32
      %sign3A_469 = arith.cmpi slt, %jit3A_456, %sign3A_468 : i32
      %sign3A_470 = arith.extui %sign3A_469 : i1 to i32
      %sign3A_471 = arith.subi %sign3A_467, %sign3A_470 : i32
      %ne3A_472 = arith.cmpi ne, %sign3A_464, %sign3A_471 : i32
      %rem3A_473 = arith.remsi %add3A_455, %jit3A_456 : i32
      %ne3A_474 = arith.constant 0 : i32
      %ne3A_475 = arith.cmpi ne, %rem3A_473, %ne3A_474 : i32
      %and3A_476 = arith.andi %ne3A_472, %ne3A_475 : i1
      %sub3A_477 = arith.constant 1 : i32
      %sub3A_478 = arith.subi %div3A_457, %sub3A_477 : i32
      %select_n3A_479 = arith.select %and3A_476, %sub3A_478, %div3A_457 : i32
      %ge3A_480 = arith.constant 2 : i32
      %ge3A_481 = arith.cmpi sge, %add3A_455, %ge3A_480 : i32
      %convert_element_type3A_482 = arith.extui %ge3A_481 : i1 to i32
      %cond3A_483 = arith.constant 0 : i32
      %cond3A_484 = arith.cmpi ne, %convert_element_type3A_482, %cond3A_483 : i32
      scf.if %cond3A_484 {
        %add3A_516 = arith.constant 0 : i32
        %add3A_517 = arith.addi %mul3A_2, %add3A_516 : i32
        %mul3A_518 = arith.constant 200 : i32
        %mul3A_519 = arith.muli %add3A_517, %mul3A_518 : i32
        %add3A_520 = arith.constant 96 : i32
        %add3A_521 = arith.addi %mul3A_519, %add3A_520 : i32
        %dma_wait3A_522 = arith.constant 1 : i32
        %dma_wait3A_523 = arith.constant 0 : i32
        %dma_wait3A_524 = arith.constant 0 : i32
        %dma_wait3A_525 = arith.constant 0 : i32
        %dma_wait3A_526 = tpu.memref_slice %arg7[%dma_wait3A_522, %dma_wait3A_524, %dma_wait3A_525] : memref<2x104x64xf32, #tpu.memory_space<vmem>> -> memref<1x104x64xf32, #tpu.memory_space<vmem>>
        %dma_wait3A_527 = tpu.memref_squeeze %dma_wait3A_526 : memref<1x104x64xf32, #tpu.memory_space<vmem>> -> memref<104x64xf32, #tpu.memory_space<vmem>>
        %dma_wait3A_528 = arith.constant 0 : i32
        %dma_wait3A_529 = tpu.memref_slice %arg5[%add3A_521, %dma_wait3A_523, %dma_wait3A_528] : memref<3276800x2x64xf32, #tpu.memory_space<hbm>> -> memref<104x1x64xf32, #tpu.memory_space<hbm>>
        %dma_wait3A_530 = tpu.memref_squeeze %dma_wait3A_529 : memref<104x1x64xf32, #tpu.memory_space<hbm>> -> memref<104x64xf32, #tpu.memory_space<hbm>>
        %dma_wait3A_531 = arith.constant 0 : i32
        %dma_wait3A_532 = tpu.memref_slice %arg5[%add3A_521, %dma_wait3A_523, %dma_wait3A_531] : memref<3276800x2x64xf32, #tpu.memory_space<hbm>> -> memref<104x1x64xf32, #tpu.memory_space<hbm>>
        %dma_wait3A_533 = tpu.memref_squeeze %dma_wait3A_532 : memref<104x1x64xf32, #tpu.memory_space<hbm>> -> memref<104x64xf32, #tpu.memory_space<hbm>>
        %dma_wait3A_534 = arith.constant 0 : i32
        %dma_wait3A_535 = arith.constant 0 : i32
        %dma_wait3A_536 = tpu.memref_slice %arg7[%dma_wait3A_522, %dma_wait3A_534, %dma_wait3A_535] : memref<2x104x64xf32, #tpu.memory_space<vmem>> -> memref<1x104x64xf32, #tpu.memory_space<vmem>>
        %dma_wait3A_537 = tpu.memref_squeeze %dma_wait3A_536 : memref<1x104x64xf32, #tpu.memory_space<vmem>> -> memref<104x64xf32, #tpu.memory_space<vmem>>
        tpu.wait_dma2 semaphore(%arg16 : memref<!tpu.dma_semaphore, #tpu.memory_space<semaphore_mem>>) src(%dma_wait3A_537 : memref<104x64xf32, #tpu.memory_space<vmem>>) dst(%dma_wait3A_533 : memref<104x64xf32, #tpu.memory_space<hbm>>)
        %add3A_538 = arith.constant 0 : i32
        %add3A_539 = arith.addi %mul3A_2, %add3A_538 : i32
        %mul3A_540 = arith.constant 200 : i32
        %mul3A_541 = arith.muli %add3A_539, %mul3A_540 : i32
        %add3A_542 = arith.constant 96 : i32
        %add3A_543 = arith.addi %mul3A_541, %add3A_542 : i32
        %dma_wait3A_544 = arith.constant 1 : i32
        %dma_wait3A_545 = arith.constant 1 : i32
        %dma_wait3A_546 = arith.constant 0 : i32
        %dma_wait3A_547 = arith.constant 0 : i32
        %dma_wait3A_548 = tpu.memref_slice %arg8[%dma_wait3A_544, %dma_wait3A_546, %dma_wait3A_547] : memref<2x104x64xf32, #tpu.memory_space<vmem>> -> memref<1x104x64xf32, #tpu.memory_space<vmem>>
        %dma_wait3A_549 = tpu.memref_squeeze %dma_wait3A_548 : memref<1x104x64xf32, #tpu.memory_space<vmem>> -> memref<104x64xf32, #tpu.memory_space<vmem>>
        %dma_wait3A_550 = arith.constant 0 : i32
        %dma_wait3A_551 = tpu.memref_slice %arg5[%add3A_543, %dma_wait3A_545, %dma_wait3A_550] : memref<3276800x2x64xf32, #tpu.memory_space<hbm>> -> memref<104x1x64xf32, #tpu.memory_space<hbm>>
        %dma_wait3A_552 = tpu.memref_squeeze %dma_wait3A_551 : memref<104x1x64xf32, #tpu.memory_space<hbm>> -> memref<104x64xf32, #tpu.memory_space<hbm>>
        %dma_wait3A_553 = arith.constant 0 : i32
        %dma_wait3A_554 = tpu.memref_slice %arg5[%add3A_543, %dma_wait3A_545, %dma_wait3A_553] : memref<3276800x2x64xf32, #tpu.memory_space<hbm>> -> memref<104x1x64xf32, #tpu.memory_space<hbm>>
        %dma_wait3A_555 = tpu.memref_squeeze %dma_wait3A_554 : memref<104x1x64xf32, #tpu.memory_space<hbm>> -> memref<104x64xf32, #tpu.memory_space<hbm>>
        %dma_wait3A_556 = arith.constant 0 : i32
        %dma_wait3A_557 = arith.constant 0 : i32
        %dma_wait3A_558 = tpu.memref_slice %arg8[%dma_wait3A_544, %dma_wait3A_556, %dma_wait3A_557] : memref<2x104x64xf32, #tpu.memory_space<vmem>> -> memref<1x104x64xf32, #tpu.memory_space<vmem>>
        %dma_wait3A_559 = tpu.memref_squeeze %dma_wait3A_558 : memref<1x104x64xf32, #tpu.memory_space<vmem>> -> memref<104x64xf32, #tpu.memory_space<vmem>>
        tpu.wait_dma2 semaphore(%arg18 : memref<!tpu.dma_semaphore, #tpu.memory_space<semaphore_mem>>) src(%dma_wait3A_559 : memref<104x64xf32, #tpu.memory_space<vmem>>) dst(%dma_wait3A_555 : memref<104x64xf32, #tpu.memory_space<hbm>>)
      } else {
      }
      %dma_start3A_485 = arith.constant 1 : i32
      %dma_start3A_486 = arith.constant 0 : i32
      %dma_start3A_487 = arith.constant 1 : i32
      %dma_start3A_488 = arith.constant 0 : i32
      %dma_start3A_489 = arith.constant 0 : i32
      %dma_start3A_490 = tpu.memref_slice %arg7[%dma_start3A_487, %dma_start3A_488, %dma_start3A_489] : memref<2x104x64xf32, #tpu.memory_space<vmem>> -> memref<1x104x64xf32, #tpu.memory_space<vmem>>
      %dma_start3A_491 = tpu.memref_squeeze %dma_start3A_490 : memref<1x104x64xf32, #tpu.memory_space<vmem>> -> memref<104x64xf32, #tpu.memory_space<vmem>>
      %dma_start3A_492 = arith.constant 96 : i32
      %dma_start3A_493 = tpu.memref_slice %arg6[%dma_start3A_485, %dma_start3A_486, %dma_start3A_492] : memref<2x2x200xi32, #tpu.memory_space<vmem>> -> memref<1x1x104xi32, #tpu.memory_space<vmem>>
      %dma_start3A_494 = tpu.memref_squeeze %dma_start3A_493 : memref<1x1x104xi32, #tpu.memory_space<vmem>> -> memref<104xi32, #tpu.memory_space<vmem>>
      %dma_start3A_495 = arith.constant 0 : i32
      %dma_start3A_496 = arith.constant 0 : i32
      %dma_start3A_497 = tpu.memref_slice %arg9[%dma_start3A_495, %dma_start3A_496] : memref<10000x64xf32, #tpu.memory_space<vmem_shared>> -> memref<10000x64xf32, #tpu.memory_space<vmem_shared>>
      tpu.enqueue_indirect_dma source(%dma_start3A_497 : memref<10000x64xf32, #tpu.memory_space<vmem_shared>>) target(%dma_start3A_491 : memref<104x64xf32, #tpu.memory_space<vmem>>) offsets(%dma_start3A_494 : memref<104xi32, #tpu.memory_space<vmem>>) semaphore(%arg14 : memref<!tpu.dma_semaphore, #tpu.memory_space<semaphore_mem>>)
      %dma_start3A_498 = arith.constant 1 : i32
      %dma_start3A_499 = arith.constant 1 : i32
      %dma_start3A_500 = arith.constant 1 : i32
      %dma_start3A_501 = arith.constant 0 : i32
      %dma_start3A_502 = arith.constant 0 : i32
      %dma_start3A_503 = tpu.memref_slice %arg8[%dma_start3A_500, %dma_start3A_501, %dma_start3A_502] : memref<2x104x64xf32, #tpu.memory_space<vmem>> -> memref<1x104x64xf32, #tpu.memory_space<vmem>>
      %dma_start3A_504 = tpu.memref_squeeze %dma_start3A_503 : memref<1x104x64xf32, #tpu.memory_space<vmem>> -> memref<104x64xf32, #tpu.memory_space<vmem>>
      %dma_start3A_505 = arith.constant 96 : i32
      %dma_start3A_506 = tpu.memref_slice %arg6[%dma_start3A_498, %dma_start3A_499, %dma_start3A_505] : memref<2x2x200xi32, #tpu.memory_space<vmem>> -> memref<1x1x104xi32, #tpu.memory_space<vmem>>
      %dma_start3A_507 = tpu.memref_squeeze %dma_start3A_506 : memref<1x1x104xi32, #tpu.memory_space<vmem>> -> memref<104xi32, #tpu.memory_space<vmem>>
      %dma_start3A_508 = arith.constant 0 : i32
      %dma_start3A_509 = arith.constant 0 : i32
      %dma_start3A_510 = tpu.memref_slice %arg10[%dma_start3A_508, %dma_start3A_509] : memref<10000x64xf32, #tpu.memory_space<vmem_shared>> -> memref<10000x64xf32, #tpu.memory_space<vmem_shared>>
      tpu.enqueue_indirect_dma source(%dma_start3A_510 : memref<10000x64xf32, #tpu.memory_space<vmem_shared>>) target(%dma_start3A_504 : memref<104x64xf32, #tpu.memory_space<vmem>>) offsets(%dma_start3A_507 : memref<104xi32, #tpu.memory_space<vmem>>) semaphore(%arg14 : memref<!tpu.dma_semaphore, #tpu.memory_space<semaphore_mem>>)
      %ge3A_511 = arith.constant 1 : i32
      %ge3A_512 = arith.cmpi sge, %add3A_455, %ge3A_511 : i32
      %convert_element_type3A_513 = arith.extui %ge3A_512 : i1 to i32
      %cond3A_514 = arith.constant 0 : i32
      %cond3A_515 = arith.cmpi ne, %convert_element_type3A_513, %cond3A_514 : i32
      scf.if %cond3A_515 {
        %sub3A_516 = arith.constant 1 : i32
        %sub3A_517 = arith.subi %add3A_455, %sub3A_516 : i32
        %max3A = arith.constant 0 : i32
        %max3A_518 = arith.maxsi %sub3A_517, %max3A : i32
        %jit3A_519 = arith.constant 2 : i32
        %div3A_520 = arith.divsi %max3A_518, %jit3A_519 : i32
        %sign3A_521 = arith.constant 0 : i32
        %sign3A_522 = arith.cmpi sgt, %max3A_518, %sign3A_521 : i32
        %sign3A_523 = arith.extui %sign3A_522 : i1 to i32
        %sign3A_524 = arith.constant 0 : i32
        %sign3A_525 = arith.cmpi slt, %max3A_518, %sign3A_524 : i32
        %sign3A_526 = arith.extui %sign3A_525 : i1 to i32
        %sign3A_527 = arith.subi %sign3A_523, %sign3A_526 : i32
        %sign3A_528 = arith.constant 0 : i32
        %sign3A_529 = arith.cmpi sgt, %jit3A_519, %sign3A_528 : i32
        %sign3A_530 = arith.extui %sign3A_529 : i1 to i32
        %sign3A_531 = arith.constant 0 : i32
        %sign3A_532 = arith.cmpi slt, %jit3A_519, %sign3A_531 : i32
        %sign3A_533 = arith.extui %sign3A_532 : i1 to i32
        %sign3A_534 = arith.subi %sign3A_530, %sign3A_533 : i32
        %ne3A_535 = arith.cmpi ne, %sign3A_527, %sign3A_534 : i32
        %rem3A_536 = arith.remsi %max3A_518, %jit3A_519 : i32
        %ne3A_537 = arith.constant 0 : i32
        %ne3A_538 = arith.cmpi ne, %rem3A_536, %ne3A_537 : i32
        %and3A_539 = arith.andi %ne3A_535, %ne3A_538 : i1
        %sub3A_540 = arith.constant 1 : i32
        %sub3A_541 = arith.subi %div3A_520, %sub3A_540 : i32
        %select_n3A_542 = arith.select %and3A_539, %sub3A_541, %div3A_520 : i32
        %dma_wait3A_543 = arith.constant 0 : i32
        %dma_wait3A_544 = arith.constant 0 : i32
        %dma_wait3A_545 = arith.constant 0 : i32
        %dma_wait3A_546 = tpu.memref_slice %arg7[%dma_wait3A_543, %dma_wait3A_544, %dma_wait3A_545] : memref<2x104x64xf32, #tpu.memory_space<vmem>> -> memref<1x96x64xf32, #tpu.memory_space<vmem>>
        %dma_wait3A_547 = tpu.memref_squeeze %dma_wait3A_546 : memref<1x96x64xf32, #tpu.memory_space<vmem>> -> memref<96x64xf32, #tpu.memory_space<vmem>>
        %dma_wait3A_548 = arith.constant 0 : i32
        %dma_wait3A_549 = arith.constant 0 : i32
        %dma_wait3A_550 = tpu.memref_slice %arg3[%dma_wait3A_548, %dma_wait3A_549] : memref<10000x64xf32, #tpu.memory_space<hbm>> -> memref<96x64xf32, #tpu.memory_space<hbm>>
        %dma_wait3A_551 = arith.constant 0 : i32
        %dma_wait3A_552 = arith.constant 0 : i32
        %dma_wait3A_553 = tpu.memref_slice %arg7[%dma_wait3A_543, %dma_wait3A_551, %dma_wait3A_552] : memref<2x104x64xf32, #tpu.memory_space<vmem>> -> memref<1x96x64xf32, #tpu.memory_space<vmem>>
        %dma_wait3A_554 = tpu.memref_squeeze %dma_wait3A_553 : memref<1x96x64xf32, #tpu.memory_space<vmem>> -> memref<96x64xf32, #tpu.memory_space<vmem>>
        %dma_wait3A_555 = arith.constant 0 : i32
        %dma_wait3A_556 = arith.constant 0 : i32
        %dma_wait3A_557 = tpu.memref_slice %arg3[%dma_wait3A_555, %dma_wait3A_556] : memref<10000x64xf32, #tpu.memory_space<hbm>> -> memref<96x64xf32, #tpu.memory_space<hbm>>
        tpu.wait_dma2 semaphore(%arg13 : memref<!tpu.dma_semaphore, #tpu.memory_space<semaphore_mem>>) src(%dma_wait3A_557 : memref<96x64xf32, #tpu.memory_space<hbm>>) dst(%dma_wait3A_554 : memref<96x64xf32, #tpu.memory_space<vmem>>)
        %dma_wait3A_558 = arith.constant 0 : i32
        %dma_wait3A_559 = arith.constant 0 : i32
        %dma_wait3A_560 = arith.constant 0 : i32
        %dma_wait3A_561 = tpu.memref_slice %arg8[%dma_wait3A_558, %dma_wait3A_559, %dma_wait3A_560] : memref<2x104x64xf32, #tpu.memory_space<vmem>> -> memref<1x96x64xf32, #tpu.memory_space<vmem>>
        %dma_wait3A_562 = tpu.memref_squeeze %dma_wait3A_561 : memref<1x96x64xf32, #tpu.memory_space<vmem>> -> memref<96x64xf32, #tpu.memory_space<vmem>>
        %dma_wait3A_563 = arith.constant 0 : i32
        %dma_wait3A_564 = arith.constant 0 : i32
        %dma_wait3A_565 = tpu.memref_slice %arg4[%dma_wait3A_563, %dma_wait3A_564] : memref<10000x64xf32, #tpu.memory_space<hbm>> -> memref<96x64xf32, #tpu.memory_space<hbm>>
        %dma_wait3A_566 = arith.constant 0 : i32
        %dma_wait3A_567 = arith.constant 0 : i32
        %dma_wait3A_568 = tpu.memref_slice %arg8[%dma_wait3A_558, %dma_wait3A_566, %dma_wait3A_567] : memref<2x104x64xf32, #tpu.memory_space<vmem>> -> memref<1x96x64xf32, #tpu.memory_space<vmem>>
        %dma_wait3A_569 = tpu.memref_squeeze %dma_wait3A_568 : memref<1x96x64xf32, #tpu.memory_space<vmem>> -> memref<96x64xf32, #tpu.memory_space<vmem>>
        %dma_wait3A_570 = arith.constant 0 : i32
        %dma_wait3A_571 = arith.constant 0 : i32
        %dma_wait3A_572 = tpu.memref_slice %arg4[%dma_wait3A_570, %dma_wait3A_571] : memref<10000x64xf32, #tpu.memory_space<hbm>> -> memref<96x64xf32, #tpu.memory_space<hbm>>
        tpu.wait_dma2 semaphore(%arg13 : memref<!tpu.dma_semaphore, #tpu.memory_space<semaphore_mem>>) src(%dma_wait3A_572 : memref<96x64xf32, #tpu.memory_space<hbm>>) dst(%dma_wait3A_569 : memref<96x64xf32, #tpu.memory_space<vmem>>)
        %add3A_573 = arith.addi %mul3A_2, %select_n3A_542 : i32
        %mul3A_574 = arith.constant 200 : i32
        %mul3A_575 = arith.muli %add3A_573, %mul3A_574 : i32
        %add3A_576 = arith.constant 0 : i32
        %add3A_577 = arith.addi %mul3A_575, %add3A_576 : i32
        %dma_start3A_578 = arith.constant 0 : i32
        %dma_start3A_579 = arith.constant 0 : i32
        %dma_start3A_580 = arith.constant 0 : i32
        %dma_start3A_581 = arith.constant 0 : i32
        %dma_start3A_582 = tpu.memref_slice %arg7[%dma_start3A_578, %dma_start3A_580, %dma_start3A_581] : memref<2x104x64xf32, #tpu.memory_space<vmem>> -> memref<1x96x64xf32, #tpu.memory_space<vmem>>
        %dma_start3A_583 = tpu.memref_squeeze %dma_start3A_582 : memref<1x96x64xf32, #tpu.memory_space<vmem>> -> memref<96x64xf32, #tpu.memory_space<vmem>>
        %dma_start3A_584 = arith.constant 0 : i32
        %dma_start3A_585 = tpu.memref_slice %arg5[%add3A_577, %dma_start3A_579, %dma_start3A_584] : memref<3276800x2x64xf32, #tpu.memory_space<hbm>> -> memref<96x1x64xf32, #tpu.memory_space<hbm>>
        %dma_start3A_586 = tpu.memref_squeeze %dma_start3A_585 : memref<96x1x64xf32, #tpu.memory_space<hbm>> -> memref<96x64xf32, #tpu.memory_space<hbm>>
        %dma_start3A_587 = arith.constant 0 : i32
        %dma_start3A_588 = tpu.memref_slice %arg5[%add3A_577, %dma_start3A_579, %dma_start3A_587] : memref<3276800x2x64xf32, #tpu.memory_space<hbm>> -> memref<96x1x64xf32, #tpu.memory_space<hbm>>
        %dma_start3A_589 = tpu.memref_squeeze %dma_start3A_588 : memref<96x1x64xf32, #tpu.memory_space<hbm>> -> memref<96x64xf32, #tpu.memory_space<hbm>>
        %dma_start3A_590 = arith.constant 0 : i32
        %dma_start3A_591 = arith.constant 0 : i32
        %dma_start3A_592 = tpu.memref_slice %arg7[%dma_start3A_578, %dma_start3A_590, %dma_start3A_591] : memref<2x104x64xf32, #tpu.memory_space<vmem>> -> memref<1x96x64xf32, #tpu.memory_space<vmem>>
        %dma_start3A_593 = tpu.memref_squeeze %dma_start3A_592 : memref<1x96x64xf32, #tpu.memory_space<vmem>> -> memref<96x64xf32, #tpu.memory_space<vmem>>
        tpu.enqueue_dma source(%dma_start3A_593 : memref<96x64xf32, #tpu.memory_space<vmem>>) target(%dma_start3A_589 : memref<96x64xf32, #tpu.memory_space<hbm>>) target_semaphore(%arg15 : memref<!tpu.dma_semaphore, #tpu.memory_space<semaphore_mem>>)
        %add3A_594 = arith.addi %mul3A_2, %select_n3A_542 : i32
        %mul3A_595 = arith.constant 200 : i32
        %mul3A_596 = arith.muli %add3A_594, %mul3A_595 : i32
        %add3A_597 = arith.constant 0 : i32
        %add3A_598 = arith.addi %mul3A_596, %add3A_597 : i32
        %dma_start3A_599 = arith.constant 0 : i32
        %dma_start3A_600 = arith.constant 1 : i32
        %dma_start3A_601 = arith.constant 0 : i32
        %dma_start3A_602 = arith.constant 0 : i32
        %dma_start3A_603 = tpu.memref_slice %arg8[%dma_start3A_599, %dma_start3A_601, %dma_start3A_602] : memref<2x104x64xf32, #tpu.memory_space<vmem>> -> memref<1x96x64xf32, #tpu.memory_space<vmem>>
        %dma_start3A_604 = tpu.memref_squeeze %dma_start3A_603 : memref<1x96x64xf32, #tpu.memory_space<vmem>> -> memref<96x64xf32, #tpu.memory_space<vmem>>
        %dma_start3A_605 = arith.constant 0 : i32
        %dma_start3A_606 = tpu.memref_slice %arg5[%add3A_598, %dma_start3A_600, %dma_start3A_605] : memref<3276800x2x64xf32, #tpu.memory_space<hbm>> -> memref<96x1x64xf32, #tpu.memory_space<hbm>>
        %dma_start3A_607 = tpu.memref_squeeze %dma_start3A_606 : memref<96x1x64xf32, #tpu.memory_space<hbm>> -> memref<96x64xf32, #tpu.memory_space<hbm>>
        %dma_start3A_608 = arith.constant 0 : i32
        %dma_start3A_609 = tpu.memref_slice %arg5[%add3A_598, %dma_start3A_600, %dma_start3A_608] : memref<3276800x2x64xf32, #tpu.memory_space<hbm>> -> memref<96x1x64xf32, #tpu.memory_space<hbm>>
        %dma_start3A_610 = tpu.memref_squeeze %dma_start3A_609 : memref<96x1x64xf32, #tpu.memory_space<hbm>> -> memref<96x64xf32, #tpu.memory_space<hbm>>
        %dma_start3A_611 = arith.constant 0 : i32
        %dma_start3A_612 = arith.constant 0 : i32
        %dma_start3A_613 = tpu.memref_slice %arg8[%dma_start3A_599, %dma_start3A_611, %dma_start3A_612] : memref<2x104x64xf32, #tpu.memory_space<vmem>> -> memref<1x96x64xf32, #tpu.memory_space<vmem>>
        %dma_start3A_614 = tpu.memref_squeeze %dma_start3A_613 : memref<1x96x64xf32, #tpu.memory_space<vmem>> -> memref<96x64xf32, #tpu.memory_space<vmem>>
        tpu.enqueue_dma source(%dma_start3A_614 : memref<96x64xf32, #tpu.memory_space<vmem>>) target(%dma_start3A_610 : memref<96x64xf32, #tpu.memory_space<hbm>>) target_semaphore(%arg17 : memref<!tpu.dma_semaphore, #tpu.memory_space<semaphore_mem>>)
      } else {
      }
    }
    %scan3A_51 = arith.constant 256 : i32
    %dma_wait3A = arith.constant 1 : i32
    %dma_wait3A_52 = arith.constant 0 : i32
    %dma_wait3A_53 = arith.constant 0 : i32
    %dma_wait3A_54 = tpu.memref_slice %arg7[%dma_wait3A, %dma_wait3A_52, %dma_wait3A_53] : memref<2x104x64xf32, #tpu.memory_space<vmem>> -> memref<1x104x64xf32, #tpu.memory_space<vmem>>
    %dma_wait3A_55 = tpu.memref_squeeze %dma_wait3A_54 : memref<1x104x64xf32, #tpu.memory_space<vmem>> -> memref<104x64xf32, #tpu.memory_space<vmem>>
    %dma_wait3A_56 = arith.constant 0 : i32
    %dma_wait3A_57 = arith.constant 0 : i32
    %dma_wait3A_58 = tpu.memref_slice %arg3[%dma_wait3A_56, %dma_wait3A_57] : memref<10000x64xf32, #tpu.memory_space<hbm>> -> memref<104x64xf32, #tpu.memory_space<hbm>>
    %dma_wait3A_59 = arith.constant 0 : i32
    %dma_wait3A_60 = arith.constant 0 : i32
    %dma_wait3A_61 = tpu.memref_slice %arg7[%dma_wait3A, %dma_wait3A_59, %dma_wait3A_60] : memref<2x104x64xf32, #tpu.memory_space<vmem>> -> memref<1x104x64xf32, #tpu.memory_space<vmem>>
    %dma_wait3A_62 = tpu.memref_squeeze %dma_wait3A_61 : memref<1x104x64xf32, #tpu.memory_space<vmem>> -> memref<104x64xf32, #tpu.memory_space<vmem>>
    %dma_wait3A_63 = arith.constant 0 : i32
    %dma_wait3A_64 = arith.constant 0 : i32
    %dma_wait3A_65 = tpu.memref_slice %arg3[%dma_wait3A_63, %dma_wait3A_64] : memref<10000x64xf32, #tpu.memory_space<hbm>> -> memref<104x64xf32, #tpu.memory_space<hbm>>
    tpu.wait_dma2 semaphore(%arg14 : memref<!tpu.dma_semaphore, #tpu.memory_space<semaphore_mem>>) src(%dma_wait3A_65 : memref<104x64xf32, #tpu.memory_space<hbm>>) dst(%dma_wait3A_62 : memref<104x64xf32, #tpu.memory_space<vmem>>)
    %dma_wait3A_66 = arith.constant 1 : i32
    %dma_wait3A_67 = arith.constant 0 : i32
    %dma_wait3A_68 = arith.constant 0 : i32
    %dma_wait3A_69 = tpu.memref_slice %arg8[%dma_wait3A_66, %dma_wait3A_67, %dma_wait3A_68] : memref<2x104x64xf32, #tpu.memory_space<vmem>> -> memref<1x104x64xf32, #tpu.memory_space<vmem>>
    %dma_wait3A_70 = tpu.memref_squeeze %dma_wait3A_69 : memref<1x104x64xf32, #tpu.memory_space<vmem>> -> memref<104x64xf32, #tpu.memory_space<vmem>>
    %dma_wait3A_71 = arith.constant 0 : i32
    %dma_wait3A_72 = arith.constant 0 : i32
    %dma_wait3A_73 = tpu.memref_slice %arg4[%dma_wait3A_71, %dma_wait3A_72] : memref<10000x64xf32, #tpu.memory_space<hbm>> -> memref<104x64xf32, #tpu.memory_space<hbm>>
    %dma_wait3A_74 = arith.constant 0 : i32
    %dma_wait3A_75 = arith.constant 0 : i32
    %dma_wait3A_76 = tpu.memref_slice %arg8[%dma_wait3A_66, %dma_wait3A_74, %dma_wait3A_75] : memref<2x104x64xf32, #tpu.memory_space<vmem>> -> memref<1x104x64xf32, #tpu.memory_space<vmem>>
    %dma_wait3A_77 = tpu.memref_squeeze %dma_wait3A_76 : memref<1x104x64xf32, #tpu.memory_space<vmem>> -> memref<104x64xf32, #tpu.memory_space<vmem>>
    %dma_wait3A_78 = arith.constant 0 : i32
    %dma_wait3A_79 = arith.constant 0 : i32
    %dma_wait3A_80 = tpu.memref_slice %arg4[%dma_wait3A_78, %dma_wait3A_79] : memref<10000x64xf32, #tpu.memory_space<hbm>> -> memref<104x64xf32, #tpu.memory_space<hbm>>
    tpu.wait_dma2 semaphore(%arg14 : memref<!tpu.dma_semaphore, #tpu.memory_space<semaphore_mem>>) src(%dma_wait3A_80 : memref<104x64xf32, #tpu.memory_space<hbm>>) dst(%dma_wait3A_77 : memref<104x64xf32, #tpu.memory_space<vmem>>)
    %add3A_81 = arith.constant 511 : i32
    %add3A_82 = arith.addi %mul3A_2, %add3A_81 : i32
    %mul3A_83 = arith.constant 200 : i32
    %mul3A_84 = arith.muli %add3A_82, %mul3A_83 : i32
    %add3A_85 = arith.constant 96 : i32
    %add3A_86 = arith.addi %mul3A_84, %add3A_85 : i32
    %dma_start3A_87 = arith.constant 1 : i32
    %dma_start3A_88 = arith.constant 0 : i32
    %dma_start3A_89 = arith.constant 0 : i32
    %dma_start3A_90 = arith.constant 0 : i32
    %dma_start3A_91 = tpu.memref_slice %arg7[%dma_start3A_87, %dma_start3A_89, %dma_start3A_90] : memref<2x104x64xf32, #tpu.memory_space<vmem>> -> memref<1x104x64xf32, #tpu.memory_space<vmem>>
    %dma_start3A_92 = tpu.memref_squeeze %dma_start3A_91 : memref<1x104x64xf32, #tpu.memory_space<vmem>> -> memref<104x64xf32, #tpu.memory_space<vmem>>
    %dma_start3A_93 = arith.constant 0 : i32
    %dma_start3A_94 = tpu.memref_slice %arg5[%add3A_86, %dma_start3A_88, %dma_start3A_93] : memref<3276800x2x64xf32, #tpu.memory_space<hbm>> -> memref<104x1x64xf32, #tpu.memory_space<hbm>>
    %dma_start3A_95 = tpu.memref_squeeze %dma_start3A_94 : memref<104x1x64xf32, #tpu.memory_space<hbm>> -> memref<104x64xf32, #tpu.memory_space<hbm>>
    %dma_start3A_96 = arith.constant 0 : i32
    %dma_start3A_97 = tpu.memref_slice %arg5[%add3A_86, %dma_start3A_88, %dma_start3A_96] : memref<3276800x2x64xf32, #tpu.memory_space<hbm>> -> memref<104x1x64xf32, #tpu.memory_space<hbm>>
    %dma_start3A_98 = tpu.memref_squeeze %dma_start3A_97 : memref<104x1x64xf32, #tpu.memory_space<hbm>> -> memref<104x64xf32, #tpu.memory_space<hbm>>
    %dma_start3A_99 = arith.constant 0 : i32
    %dma_start3A_100 = arith.constant 0 : i32
    %dma_start3A_101 = tpu.memref_slice %arg7[%dma_start3A_87, %dma_start3A_99, %dma_start3A_100] : memref<2x104x64xf32, #tpu.memory_space<vmem>> -> memref<1x104x64xf32, #tpu.memory_space<vmem>>
    %dma_start3A_102 = tpu.memref_squeeze %dma_start3A_101 : memref<1x104x64xf32, #tpu.memory_space<vmem>> -> memref<104x64xf32, #tpu.memory_space<vmem>>
    tpu.enqueue_dma source(%dma_start3A_102 : memref<104x64xf32, #tpu.memory_space<vmem>>) target(%dma_start3A_98 : memref<104x64xf32, #tpu.memory_space<hbm>>) target_semaphore(%arg16 : memref<!tpu.dma_semaphore, #tpu.memory_space<semaphore_mem>>)
    %add3A_103 = arith.constant 511 : i32
    %add3A_104 = arith.addi %mul3A_2, %add3A_103 : i32
    %mul3A_105 = arith.constant 200 : i32
    %mul3A_106 = arith.muli %add3A_104, %mul3A_105 : i32
    %add3A_107 = arith.constant 96 : i32
    %add3A_108 = arith.addi %mul3A_106, %add3A_107 : i32
    %dma_start3A_109 = arith.constant 1 : i32
    %dma_start3A_110 = arith.constant 1 : i32
    %dma_start3A_111 = arith.constant 0 : i32
    %dma_start3A_112 = arith.constant 0 : i32
    %dma_start3A_113 = tpu.memref_slice %arg8[%dma_start3A_109, %dma_start3A_111, %dma_start3A_112] : memref<2x104x64xf32, #tpu.memory_space<vmem>> -> memref<1x104x64xf32, #tpu.memory_space<vmem>>
    %dma_start3A_114 = tpu.memref_squeeze %dma_start3A_113 : memref<1x104x64xf32, #tpu.memory_space<vmem>> -> memref<104x64xf32, #tpu.memory_space<vmem>>
    %dma_start3A_115 = arith.constant 0 : i32
    %dma_start3A_116 = tpu.memref_slice %arg5[%add3A_108, %dma_start3A_110, %dma_start3A_115] : memref<3276800x2x64xf32, #tpu.memory_space<hbm>> -> memref<104x1x64xf32, #tpu.memory_space<hbm>>
    %dma_start3A_117 = tpu.memref_squeeze %dma_start3A_116 : memref<104x1x64xf32, #tpu.memory_space<hbm>> -> memref<104x64xf32, #tpu.memory_space<hbm>>
    %dma_start3A_118 = arith.constant 0 : i32
    %dma_start3A_119 = tpu.memref_slice %arg5[%add3A_108, %dma_start3A_110, %dma_start3A_118] : memref<3276800x2x64xf32, #tpu.memory_space<hbm>> -> memref<104x1x64xf32, #tpu.memory_space<hbm>>
    %dma_start3A_120 = tpu.memref_squeeze %dma_start3A_119 : memref<104x1x64xf32, #tpu.memory_space<hbm>> -> memref<104x64xf32, #tpu.memory_space<hbm>>
    %dma_start3A_121 = arith.constant 0 : i32
    %dma_start3A_122 = arith.constant 0 : i32
    %dma_start3A_123 = tpu.memref_slice %arg8[%dma_start3A_109, %dma_start3A_121, %dma_start3A_122] : memref<2x104x64xf32, #tpu.memory_space<vmem>> -> memref<1x104x64xf32, #tpu.memory_space<vmem>>
    %dma_start3A_124 = tpu.memref_squeeze %dma_start3A_123 : memref<1x104x64xf32, #tpu.memory_space<vmem>> -> memref<104x64xf32, #tpu.memory_space<vmem>>
    tpu.enqueue_dma source(%dma_start3A_124 : memref<104x64xf32, #tpu.memory_space<vmem>>) target(%dma_start3A_120 : memref<104x64xf32, #tpu.memory_space<hbm>>) target_semaphore(%arg18 : memref<!tpu.dma_semaphore, #tpu.memory_space<semaphore_mem>>)
    %add3A_125 = arith.constant 0 : i32
    %add3A_126 = arith.addi %mul3A_2, %add3A_125 : i32
    %mul3A_127 = arith.constant 200 : i32
    %mul3A_128 = arith.muli %add3A_126, %mul3A_127 : i32
    %add3A_129 = arith.constant 0 : i32
    %add3A_130 = arith.addi %mul3A_128, %add3A_129 : i32
    %dma_wait3A_131 = arith.constant 0 : i32
    %dma_wait3A_132 = arith.constant 0 : i32
    %dma_wait3A_133 = arith.constant 0 : i32
    %dma_wait3A_134 = arith.constant 0 : i32
    %dma_wait3A_135 = tpu.memref_slice %arg7[%dma_wait3A_131, %dma_wait3A_133, %dma_wait3A_134] : memref<2x104x64xf32, #tpu.memory_space<vmem>> -> memref<1x96x64xf32, #tpu.memory_space<vmem>>
    %dma_wait3A_136 = tpu.memref_squeeze %dma_wait3A_135 : memref<1x96x64xf32, #tpu.memory_space<vmem>> -> memref<96x64xf32, #tpu.memory_space<vmem>>
    %dma_wait3A_137 = arith.constant 0 : i32
    %dma_wait3A_138 = tpu.memref_slice %arg5[%add3A_130, %dma_wait3A_132, %dma_wait3A_137] : memref<3276800x2x64xf32, #tpu.memory_space<hbm>> -> memref<96x1x64xf32, #tpu.memory_space<hbm>>
    %dma_wait3A_139 = tpu.memref_squeeze %dma_wait3A_138 : memref<96x1x64xf32, #tpu.memory_space<hbm>> -> memref<96x64xf32, #tpu.memory_space<hbm>>
    %dma_wait3A_140 = arith.constant 0 : i32
    %dma_wait3A_141 = tpu.memref_slice %arg5[%add3A_130, %dma_wait3A_132, %dma_wait3A_140] : memref<3276800x2x64xf32, #tpu.memory_space<hbm>> -> memref<96x1x64xf32, #tpu.memory_space<hbm>>
    %dma_wait3A_142 = tpu.memref_squeeze %dma_wait3A_141 : memref<96x1x64xf32, #tpu.memory_space<hbm>> -> memref<96x64xf32, #tpu.memory_space<hbm>>
    %dma_wait3A_143 = arith.constant 0 : i32
    %dma_wait3A_144 = arith.constant 0 : i32
    %dma_wait3A_145 = tpu.memref_slice %arg7[%dma_wait3A_131, %dma_wait3A_143, %dma_wait3A_144] : memref<2x104x64xf32, #tpu.memory_space<vmem>> -> memref<1x96x64xf32, #tpu.memory_space<vmem>>
    %dma_wait3A_146 = tpu.memref_squeeze %dma_wait3A_145 : memref<1x96x64xf32, #tpu.memory_space<vmem>> -> memref<96x64xf32, #tpu.memory_space<vmem>>
    tpu.wait_dma2 semaphore(%arg15 : memref<!tpu.dma_semaphore, #tpu.memory_space<semaphore_mem>>) src(%dma_wait3A_146 : memref<96x64xf32, #tpu.memory_space<vmem>>) dst(%dma_wait3A_142 : memref<96x64xf32, #tpu.memory_space<hbm>>)
    %add3A_147 = arith.constant 0 : i32
    %add3A_148 = arith.addi %mul3A_2, %add3A_147 : i32
    %mul3A_149 = arith.constant 200 : i32
    %mul3A_150 = arith.muli %add3A_148, %mul3A_149 : i32
    %add3A_151 = arith.constant 0 : i32
    %add3A_152 = arith.addi %mul3A_150, %add3A_151 : i32
    %dma_wait3A_153 = arith.constant 0 : i32
    %dma_wait3A_154 = arith.constant 1 : i32
    %dma_wait3A_155 = arith.constant 0 : i32
    %dma_wait3A_156 = arith.constant 0 : i32
    %dma_wait3A_157 = tpu.memref_slice %arg8[%dma_wait3A_153, %dma_wait3A_155, %dma_wait3A_156] : memref<2x104x64xf32, #tpu.memory_space<vmem>> -> memref<1x96x64xf32, #tpu.memory_space<vmem>>
    %dma_wait3A_158 = tpu.memref_squeeze %dma_wait3A_157 : memref<1x96x64xf32, #tpu.memory_space<vmem>> -> memref<96x64xf32, #tpu.memory_space<vmem>>
    %dma_wait3A_159 = arith.constant 0 : i32
    %dma_wait3A_160 = tpu.memref_slice %arg5[%add3A_152, %dma_wait3A_154, %dma_wait3A_159] : memref<3276800x2x64xf32, #tpu.memory_space<hbm>> -> memref<96x1x64xf32, #tpu.memory_space<hbm>>
    %dma_wait3A_161 = tpu.memref_squeeze %dma_wait3A_160 : memref<96x1x64xf32, #tpu.memory_space<hbm>> -> memref<96x64xf32, #tpu.memory_space<hbm>>
    %dma_wait3A_162 = arith.constant 0 : i32
    %dma_wait3A_163 = tpu.memref_slice %arg5[%add3A_152, %dma_wait3A_154, %dma_wait3A_162] : memref<3276800x2x64xf32, #tpu.memory_space<hbm>> -> memref<96x1x64xf32, #tpu.memory_space<hbm>>
    %dma_wait3A_164 = tpu.memref_squeeze %dma_wait3A_163 : memref<96x1x64xf32, #tpu.memory_space<hbm>> -> memref<96x64xf32, #tpu.memory_space<hbm>>
    %dma_wait3A_165 = arith.constant 0 : i32
    %dma_wait3A_166 = arith.constant 0 : i32
    %dma_wait3A_167 = tpu.memref_slice %arg8[%dma_wait3A_153, %dma_wait3A_165, %dma_wait3A_166] : memref<2x104x64xf32, #tpu.memory_space<vmem>> -> memref<1x96x64xf32, #tpu.memory_space<vmem>>
    %dma_wait3A_168 = tpu.memref_squeeze %dma_wait3A_167 : memref<1x96x64xf32, #tpu.memory_space<vmem>> -> memref<96x64xf32, #tpu.memory_space<vmem>>
    tpu.wait_dma2 semaphore(%arg17 : memref<!tpu.dma_semaphore, #tpu.memory_space<semaphore_mem>>) src(%dma_wait3A_168 : memref<96x64xf32, #tpu.memory_space<vmem>>) dst(%dma_wait3A_164 : memref<96x64xf32, #tpu.memory_space<hbm>>)
    %add3A_169 = arith.constant 0 : i32
    %add3A_170 = arith.addi %mul3A_2, %add3A_169 : i32
    %mul3A_171 = arith.constant 200 : i32
    %mul3A_172 = arith.muli %add3A_170, %mul3A_171 : i32
    %add3A_173 = arith.constant 96 : i32
    %add3A_174 = arith.addi %mul3A_172, %add3A_173 : i32
    %dma_wait3A_175 = arith.constant 1 : i32
    %dma_wait3A_176 = arith.constant 0 : i32
    %dma_wait3A_177 = arith.constant 0 : i32
    %dma_wait3A_178 = arith.constant 0 : i32
    %dma_wait3A_179 = tpu.memref_slice %arg7[%dma_wait3A_175, %dma_wait3A_177, %dma_wait3A_178] : memref<2x104x64xf32, #tpu.memory_space<vmem>> -> memref<1x104x64xf32, #tpu.memory_space<vmem>>
    %dma_wait3A_180 = tpu.memref_squeeze %dma_wait3A_179 : memref<1x104x64xf32, #tpu.memory_space<vmem>> -> memref<104x64xf32, #tpu.memory_space<vmem>>
    %dma_wait3A_181 = arith.constant 0 : i32
    %dma_wait3A_182 = tpu.memref_slice %arg5[%add3A_174, %dma_wait3A_176, %dma_wait3A_181] : memref<3276800x2x64xf32, #tpu.memory_space<hbm>> -> memref<104x1x64xf32, #tpu.memory_space<hbm>>
    %dma_wait3A_183 = tpu.memref_squeeze %dma_wait3A_182 : memref<104x1x64xf32, #tpu.memory_space<hbm>> -> memref<104x64xf32, #tpu.memory_space<hbm>>
    %dma_wait3A_184 = arith.constant 0 : i32
    %dma_wait3A_185 = tpu.memref_slice %arg5[%add3A_174, %dma_wait3A_176, %dma_wait3A_184] : memref<3276800x2x64xf32, #tpu.memory_space<hbm>> -> memref<104x1x64xf32, #tpu.memory_space<hbm>>
    %dma_wait3A_186 = tpu.memref_squeeze %dma_wait3A_185 : memref<104x1x64xf32, #tpu.memory_space<hbm>> -> memref<104x64xf32, #tpu.memory_space<hbm>>
    %dma_wait3A_187 = arith.constant 0 : i32
    %dma_wait3A_188 = arith.constant 0 : i32
    %dma_wait3A_189 = tpu.memref_slice %arg7[%dma_wait3A_175, %dma_wait3A_187, %dma_wait3A_188] : memref<2x104x64xf32, #tpu.memory_space<vmem>> -> memref<1x104x64xf32, #tpu.memory_space<vmem>>
    %dma_wait3A_190 = tpu.memref_squeeze %dma_wait3A_189 : memref<1x104x64xf32, #tpu.memory_space<vmem>> -> memref<104x64xf32, #tpu.memory_space<vmem>>
    tpu.wait_dma2 semaphore(%arg16 : memref<!tpu.dma_semaphore, #tpu.memory_space<semaphore_mem>>) src(%dma_wait3A_190 : memref<104x64xf32, #tpu.memory_space<vmem>>) dst(%dma_wait3A_186 : memref<104x64xf32, #tpu.memory_space<hbm>>)
    %add3A_191 = arith.constant 0 : i32
    %add3A_192 = arith.addi %mul3A_2, %add3A_191 : i32
    %mul3A_193 = arith.constant 200 : i32
    %mul3A_194 = arith.muli %add3A_192, %mul3A_193 : i32
    %add3A_195 = arith.constant 96 : i32
    %add3A_196 = arith.addi %mul3A_194, %add3A_195 : i32
    %dma_wait3A_197 = arith.constant 1 : i32
    %dma_wait3A_198 = arith.constant 1 : i32
    %dma_wait3A_199 = arith.constant 0 : i32
    %dma_wait3A_200 = arith.constant 0 : i32
    %dma_wait3A_201 = tpu.memref_slice %arg8[%dma_wait3A_197, %dma_wait3A_199, %dma_wait3A_200] : memref<2x104x64xf32, #tpu.memory_space<vmem>> -> memref<1x104x64xf32, #tpu.memory_space<vmem>>
    %dma_wait3A_202 = tpu.memref_squeeze %dma_wait3A_201 : memref<1x104x64xf32, #tpu.memory_space<vmem>> -> memref<104x64xf32, #tpu.memory_space<vmem>>
    %dma_wait3A_203 = arith.constant 0 : i32
    %dma_wait3A_204 = tpu.memref_slice %arg5[%add3A_196, %dma_wait3A_198, %dma_wait3A_203] : memref<3276800x2x64xf32, #tpu.memory_space<hbm>> -> memref<104x1x64xf32, #tpu.memory_space<hbm>>
    %dma_wait3A_205 = tpu.memref_squeeze %dma_wait3A_204 : memref<104x1x64xf32, #tpu.memory_space<hbm>> -> memref<104x64xf32, #tpu.memory_space<hbm>>
    %dma_wait3A_206 = arith.constant 0 : i32
    %dma_wait3A_207 = tpu.memref_slice %arg5[%add3A_196, %dma_wait3A_198, %dma_wait3A_206] : memref<3276800x2x64xf32, #tpu.memory_space<hbm>> -> memref<104x1x64xf32, #tpu.memory_space<hbm>>
    %dma_wait3A_208 = tpu.memref_squeeze %dma_wait3A_207 : memref<104x1x64xf32, #tpu.memory_space<hbm>> -> memref<104x64xf32, #tpu.memory_space<hbm>>
    %dma_wait3A_209 = arith.constant 0 : i32
    %dma_wait3A_210 = arith.constant 0 : i32
    %dma_wait3A_211 = tpu.memref_slice %arg8[%dma_wait3A_197, %dma_wait3A_209, %dma_wait3A_210] : memref<2x104x64xf32, #tpu.memory_space<vmem>> -> memref<1x104x64xf32, #tpu.memory_space<vmem>>
    %dma_wait3A_212 = tpu.memref_squeeze %dma_wait3A_211 : memref<1x104x64xf32, #tpu.memory_space<vmem>> -> memref<104x64xf32, #tpu.memory_space<vmem>>
    tpu.wait_dma2 semaphore(%arg18 : memref<!tpu.dma_semaphore, #tpu.memory_space<semaphore_mem>>) src(%dma_wait3A_212 : memref<104x64xf32, #tpu.memory_space<vmem>>) dst(%dma_wait3A_208 : memref<104x64xf32, #tpu.memory_space<hbm>>)
    return
  }
}

</mosaic_0001>

<sc_bundles>
// kernel: _sc_embed.3.cloned.1.call-start
scs
__scs_entry_jumppad:
0x0: {  	(pc) =	sbr.rel $0x88, $3  }
0x1: {  	(tag) =	ssettag $0x0;
	lr =	simm.s32 $0x1  }
0x2: {  	[smem:$0x3F9E] =	sst lr;
	_ =	strace $0xD0000000  }
0x3: {  	_ = 	snop  }
0x4: {  	_ = 	snop  }
0x5: {  	_ = 	snop  }
0x6: {  	_ = 	snop  }
0x7: {  	_ = 	snop  }
__scs_overlays_trampoline_lowered:
0x8: {  	[smem:$0x3FAD] =	sst s0  }
0x9: {  	[smem:$0x3FAE] =	sst s1  }
0xa: {  	[smem:$0x3FAF] =	sst s2  }
0xb: {  	[smem:$0x3FB0] =	sst s3  }
0xc: {  	[smem:$0x3FB1] =	sst s4  }
0xd: {  	[smem:$0x3FB2] =	sst s5  }
0xe: {  	[smem:$0x3FB3] =	sst s6  }
0xf: {  	[smem:$0x3FB4] =	sst s7  }
0x10: {  	[smem:$0x3FB5] =	sst s8  }
0x11: {  	[smem:$0x3FB6] =	sst s9;
	s0 =	simm.s32 @!p0 $0x0  }
0x12: {  	s1 =	sld [smem:$0x3F9C];
	s0 =	simm.s32 @p0 $0x1  }
0x13: {  	[smem:$0x3FB7] =	sst s0;
	s0 =	simm.s32 @!p1 $0x0  }
0x14: {  	s2 =	sld [smem:$0x3F9B];
	s0 =	simm.s32 @p1 $0x1  }
0x15: {  	[smem:$0x3FB8] =	sst s0;
	s0 =	simm.s32 @!p2 $0x0  }
0x16: {  	s3 =	sld [smem:$0x3FDB];
	s0 =	simm.s32 @p2 $0x1  }
0x17: {  	s4 =	simm.s32 $0x1BF5;
	[smem:$0x3FBA] =	sst s0  }
0x18: {  	s0 =	sld [smem:$0x3F9D];
	_ =	swait.ge [sflag:s4], $0x0  }
0x19: {  	s7 =	sld [smem:$0x3F9E]  }
0x1a: {  	s8 =	sadd.s32 $0xFFFFE003, lr  }
0x1b: {  	s9 =	sadd.s32 $0xFFFFFEF7, lr;
	s5 =	simm.s32 $0xFFFFFFFF;
	p2 =	slt.u32 s8, $0xFFFFF086  }
0x1c: {  	p1 =	slt.u32 s9, $0xF7A;
	s5 =	simm.s32 @!p2 $0x0  }
0x1d: {  	s5 =	simm.s32 @p1 $0x1;
	p0 =	seq.s32 s7, s2  }
0x1e: {  	s7 =	smul.u32 @!p0 $0xF7A, s2;
	p2 =	seq.s32 @!p0 s5, $0x0  }
0x1f: {  	s9 =	smul.u32 $0xF7A, s1;
	s8 =	simm.s32 @!p0 $0x1BF5;
	p2 =	por !p2, p0  }
0x20: {  	[sflag:s8] =	ssyncset.s32 @!p0 $0xFFFFF086;
	s6 =	sadd.s32 @!p0 s3, s7;
	s7 =	simm.s32 @!p0 $0x108  }
0x21: {  	s3 =	sadd.s32 s3, s9;
	s6 =	sadd.s32 @!p0 $0x88, s6;
	s7 =	simm.s32 @p2 $0x1082  }
0x22: {  	[simem:s7], [sflag:s8] =	dma.local @!p0 [hbm:s6], $0xF7A  }
0x23: {  	s9 =	sor.u32 $0xD0000000, s2;
	s6 =	simm.s32 $0x108;
	_ =	swait.ge @!p0 [sflag:s8], $0x0  }
0x24: {  	s3 =	sadd.s32 $0x88, s3;
	s6 =	simm.s32 @!p1 $0x1082;
	[sflag:s4] =	ssyncset.s32 $0xFFFFF086  }
0x25: {  	[simem:s6], [sflag:s4] =	dma.local [hbm:s3], $0xF7A  }
0x26: {  	[smem:$0x3F9E] =	sst s1;
	(tag) =	ssettag s2;
	_ =	strace s9  }
0x27: {  	s1 =	sld [smem:$0x3FAE]  }
0x28: {  	s2 =	sld [smem:$0x3FAF]  }
0x29: {  	s4 =	sld [smem:$0x3FB1]  }
0x2a: {  	p0 =	seq.s32 s5, $0x0;
	s5 =	sld [smem:$0x3FB2]  }
0x2b: {  	s6 =	sld [smem:$0x3FB3]  }
0x2c: {  	s7 =	sld [smem:$0x3FB4]  }
0x2d: {  	s3 =	simm.s32 $0x108;
	s8 =	sld [smem:$0x3FB5]  }
0x2e: {  	s3 =	simm.s32 @!p0 $0x1082;
	s9 =	sld [smem:$0x3FB6]  }
0x2f: {  	lr =	sadd.s32 s0, s3;
	s0 =	sld [smem:$0x3FAD]  }
0x30: {  	s3 =	sld [smem:$0x3FB0]  }
0x31: {  	[smem:$0x3FB9] =	sst s10  }
0x32: {  	s10 =	sld [smem:$0x3FB7];
	_ =	sdelay $0x3  }
0x33: {  	p0 =	seq.s32 s10, $0x1;
	s10 =	sld [smem:$0x3FB9];
	_ =	sdelay $0x3  }
0x34: {  	[smem:$0x3FB9] =	sst s10  }
0x35: {  	s10 =	sld [smem:$0x3FB8];
	_ =	sdelay $0x3  }
0x36: {  	p1 =	seq.s32 s10, $0x1;
	s10 =	sld [smem:$0x3FB9];
	_ =	sdelay $0x3  }
0x37: {  	[smem:$0x3FB9] =	sst s10  }
0x38: {  	s10 =	sld [smem:$0x3FBA]  }
0x39: {  	_ = 	snop;
	(pc) =	sbr.ind lr, $3  }
0x3a: {  	_ = 	snop  }
0x3b: {  	_ = 	snop  }
0x3c: {  	p2 =	seq.s32 s10, $0x1;
	s10 =	sld [smem:$0x3FB9]  }
0x3d: {  	_ =	shalt  }
0x3e: {  	_ =	shalt  }
0x3f: {  	_ =	shalt  }
0x40: {  	_ =	shalt  }
0x41: {  	_ =	shalt  }
0x42: {  	_ =	shalt  }
0x43: {  	_ =	shalt  }
0x44: {  	_ =	shalt  }
0x45: {  	_ =	shalt  }
0x46: {  	_ =	shalt  }
0x47: {  	_ =	shalt  }
0x48: {  	_ =	shalt  }
0x49: {  	_ =	shalt  }
0x4a: {  	_ =	shalt  }
0x4b: {  	_ =	shalt  }
0x4c: {  	_ =	shalt  }
0x4d: {  	_ =	shalt  }
0x4e: {  	_ =	shalt  }
0x4f: {  	_ =	shalt  }
0x50: {  	_ =	shalt  }
0x51: {  	_ =	shalt  }
0x52: {  	_ =	shalt  }
0x53: {  	_ =	shalt  }
0x54: {  	_ =	shalt  }
0x55: {  	_ =	shalt  }
0x56: {  	_ =	shalt  }
0x57: {  	_ =	shalt  }
0x58: {  	_ =	shalt  }
0x59: {  	_ =	shalt  }
0x5a: {  	_ =	shalt  }
0x5b: {  	_ =	shalt  }
0x5c: {  	_ =	shalt  }
0x5d: {  	_ =	shalt  }
0x5e: {  	_ =	shalt  }
0x5f: {  	_ =	shalt  }
0x60: {  	_ =	shalt  }
0x61: {  	_ =	shalt  }
0x62: {  	_ =	shalt  }
0x63: {  	_ =	shalt  }
0x64: {  	_ =	shalt  }
0x65: {  	_ =	shalt  }
0x66: {  	_ =	shalt  }
0x67: {  	_ =	shalt  }
0x68: {  	_ =	shalt  }
0x69: {  	_ =	shalt  }
0x6a: {  	_ =	shalt  }
0x6b: {  	_ =	shalt  }
0x6c: {  	_ =	shalt  }
0x6d: {  	_ =	shalt  }
0x6e: {  	_ =	shalt  }
0x6f: {  	_ =	shalt  }
0x70: {  	_ =	shalt  }
0x71: {  	_ =	shalt  }
0x72: {  	_ =	shalt  }
0x73: {  	_ =	shalt  }
0x74: {  	_ =	shalt  }
0x75: {  	_ =	shalt  }
0x76: {  	_ =	shalt  }
0x77: {  	_ =	shalt  }
0x78: {  	_ =	shalt  }
0x79: {  	_ =	shalt  }
0x7a: {  	_ =	shalt  }
0x7b: {  	_ =	shalt  }
0x7c: {  	_ =	shalt  }
0x7d: {  	_ =	shalt  }
0x7e: {  	_ =	shalt  }
0x7f: {  	_ =	shalt  }
0x80: {  	_ =	shalt  }
0x81: {  	_ =	shalt  }
0x82: {  	_ =	shalt  }
0x83: {  	_ =	shalt  }
0x84: {  	_ =	shalt  }
0x85: {  	_ =	shalt  }
0x86: {  	_ =	shalt  }
0x87: {  	_ =	shalt  }
.Lfunc_end0:
.L_simem_size_0:
called_computation.1_lowered:
.L_overlay_start_0:
0x88: {  	s2 =	sld [smem:$0x3FD9]  }
0x89: {  	s3 =	sld [smem:$0x3FFE];
	_ =	sdelay $0x1  }
0x8a: {  	s1 =	srdreg.scid  }
0x8b: {  	s0 =	sand.u32 $0x1, s1  }
0x8c: {  	s17 =	sshll.u32 s0, $0xA;
	s2 =	sadd.s32 s3, s2  }
0x8d: {  	s2 =	sadd.s32 s2, s17  }
0x8e: {  	[smem:$0x3FC5] =	sst s2  }
0x8f: {  	_ = 	snop  }
0x90: {  	s2 =	sld [smem:$0x3FD0];
	(tm) =	ssettm $0x1  }
0x91: {  	s18 =	sld [smem:$0x3FFB];
	_ =	sdelay $0x3  }
0x92: {  	_ =	strace s18  }
0x93: {  	s3 =	sld [smem:$0x3FFC];
	_ =	sdelay $0x3  }
0x94: {  	_ =	strace s3  }
0x95: {  	s3 =	sld [smem:$0x3FFD];
	_ =	sdelay $0x3  }
0x96: {  	_ =	strace s3  }
0x97: {  	_ =	strace $0x8FFFFFFF  }
0x98: {  	s19 =	sld [smem:$0x3FDB];
	_ =	sdelay $0x1  }
0x99: {  	s4 =	simm.s32 $_scs_section_size  }
0x9a: {  	s5 =	simm.s32 $_size__tile_overlayer_lowered;
	s6 =	simm.s32 $_tile_overlayer_lowered  }
0x9b: {  	s22 =	simm.s32 $0x1BFF;
	s21 =	sshll.u32 s6, $0x1;
	s3 =	sadd.s32 s4, s19  }
0x9c: {  	s7 =	simm.s32 $0x0;
	s20 =	sshll.u32 s5, $0x1;
	s5 =	sadd.s32 s21, s3  }
0x9d: {  	[timem:s7], [sflag:s22] =	dma.local [hbm:s5], s20  }
0x9e: {  	_ =	swait.ge [sflag:s22], s20  }
0x9f: {  	s4 =	ssub.s32 $0x0, s20;
	[sflag:s22] =	ssyncset.done $0x0  }
0xa0: {  	[sflag:s22] =	ssyncadd.s32 s4;
	_ =	sdelay $0x1  }
0xa1: {  	s23 =	simm.s32 $0x1B8B  }
0xa2: {  	_ =	swait.ge [sflag:s23], $0x1  }
0xa3: {  	[sflag:s23] =	ssyncset.done $0x0  }
0xa4: {  	s25 =	simm.s32 $0x1B8E;
	s24 =	sld [smem:$0x3FFE];
	[sflag:s23] =	ssyncadd.s32 $0xFFFFFFFF  }
0xa5: {  	s26 =	simm.s32 $execute0_lowered;
	[smem:$0x3FD2] =	sst s25  }
0xa6: {  	s5 =	sshll.u32 s26, $0x1;
	_ =	strace $0x80000046;
	[dreg:$0x1] =	wrdreg $0xFFFFFFFF  }
0xa7: {  	s28 =	simm.s32 $_size_execute0_lowered;
	s3 =	sadd.s32 s3, s5;
	[dreg:$0x0] =	wrdreg $0x0  }
0xa8: {  	s5 =	sshll.u32 s28, $0x1;
	[dreg:$0x2] =	wrdreg s3  }
0xa9: {  	[dreg:$0x3] =	wrdreg s5  }
0xaa: {  	[dreg:$0x4] =	wrdreg $0xC0  }
0xab: {  	_ =	task [dreg:s7], $0x5FFFF  }
0xac: {  	[dreg:$0x1] =	wrdreg $0xFFFFFFFF  }
0xad: {  	[dreg:$0x0] =	wrdreg $0x60  }
0xae: {  	[dreg:$0x2] =	wrdreg s24  }
0xaf: {  	[dreg:$0x3] =	wrdreg s2  }
0xb0: {  	[dreg:$0x4] =	wrdreg $0x6B200  }
0xb1: {  	[dreg:$0x5] =	wrdreg $0x107600  }
0xb2: {  	[dreg:$0x6] =	wrdreg $0x9  }
0xb3: {  	_ =	task.clear_ibuf [dreg:s7], $0x7FFFF;
	_ =	strace $0x90000046  }
0xb4: {  	s29 =	simm.s32 $0x9;
	_ =	strace $0x80000048  }
0xb5: {  	_ =	swait.ge [sflag:s29], $0x1  }
0xb6: {  	[sflag:s29] =	ssyncadd.s32 $0xFFFFFFFF  }
0xb7: {  	_ =	strace $0x90000048  }
0xb8: {  	_ =	sfence  }
0xb9: {  	s30 =	sld [smem:$0x0];
	_ =	sdelay $0x2  }
0xba: {  	s31 =	sshll.u32 s1, $0xD;
	s1 =	sshrl.u32 s1, $0x2  }
0xbb: {  	s3 =	sand.u32 $0x4000, s31;
	s1 =	sadd.s32 s1, s30  }
0xbc: {  	s0 =	sor.u32 s3, s0;
	s1 =	sshll.u32 s1, $0x11  }
0xbd: {  	s0 =	sor.u32 s1, s0  }
0xbe: {  	s0 =	sadd.s32 $0x8F2B, s0  }
0xbf: {  	[sflag:s0] =	ssyncadd.remote.s32 $0x1  }
0xc0: {  	_ =	sfence.sel $0xFFFF  }
0xc1: {  	[dreg:$0x0] =	wrdreg $0xFFFFFFFF;
	(pc) =	sbr.abs _section_cstart, $3  }
0xc2: {  	[dreg:$0x1] =	wrdreg $0xFFFFFFFF  }
0xc3: {  	_ =	task.clear_ibuf [dreg:s7], $0x2FFFF;
	_ =	strace $0x9FFFFFFF  }
0xc4: {  	(tm) =	ssettm $0x7FFFFFFF  }
0xc5: {  	_ =	shalt  }
tec
execute0_lowered:
.L_overlay_start_1:
0x0: {  	(tag) =	ssettag $0x1  }
0x1: {  	s0 =	rddreg [dreg:$0x0]  }
0x2: {  	s20 =	rddreg [dreg:$0x1]  }
0x3: {  	s3 =	rddreg [dreg:$0x2]  }
0x4: {  	s4 =	rddreg [dreg:$0x3];
	s2 =	stileid.u32;
	s5 =	simm.s32 $0x0  }
0x5: {  	s10 =	srdreg.scid;
	s28 =	simm.s32 $0x40;
	s29 =	simm.s32 $0x80  }
0x6: {  	s30 =	simm.s32 $0x320;
	s31 =	simm.s32 $0x3720;
	s1 =	smul.u32 $0x9C40, s2  }
0x7: {  	[smem:$0x7FF] =	sst s5;
	s5 =	sand.u32 $0x1, s10;
	s16 =	smul.u32 $0xC800, s2  }
0x8: {  	s21 =	sadd.s32 $0x27E00, s0;
	s9 =	sshll.u32 s2, $0xA;
	s26 =	smul.u32 $0x320000, s2  }
0x9: {  	s13 =	sshll.u32 s2, $0x6;
	_ =	strace $0x80000047;
	s18 =	smul.u32 $0x6400, s5  }
0xa: {  	s11 =	ssub.s32 $0x2, s5;
	s10 =	sshll.u32 s5, $0x9;
	s22 =	smul.u32 $0xC80000, s5  }
0xb: {  	s14 =	sor.u32 $0x1C09, s13;
	s5 =	smul.u32 $0x190000, s5;
	s7 =	sshrl.u32 s1, $0x3  }
0xc: {  	s8 =	sshrl.u32 s11, $0x1;
	s24 =	sor.u32 s10, s9;
	s10 =	sadd.s32 s1, s3  }
0xd: {  	[dreg:$0xf] =	wrdreg s14;
	s1 =	sadd.s32 s1, s4;
	s14 =	smul.u32 $0x1900000, s2  }
0xe: {  	s0 =	sadd.s32 s7, s0;
	s8 =	ssub.s32 s11, s8;
	s11 =	smul.u32 $0x32, s24  }
0xf: {  	s13 =	sor.u32 $0x2, s24;
	s12 =	sadd.s32 $0xA00, s0;
	s0 =	sadd.s32 $0x14400, s0  }
0x10: {  	[dreg:$0x5] =	wrdreg s13;
	s25 =	smax.u32 s8, $0x1;
	s2 =	sadd.s32 s22, s14  }
0x11: {  	s8 =	sadd.s32 s26, s20;
	s22 =	simm.s32 $0x128;
	[dreg:$0xe] =	wrdreg s12  }
0x12: {  	s26 =	simm.s32 $0x2B8;
	s12 =	smul.u32 $0x6400, s24;
	[dreg:$0x10] =	wrdreg s0  }
0x13: {  	s15 =	sadd.s32 s21, s11;
	[dreg:$0x15] =	wrdreg s25;
	s0 =	sadd.s32 s16, s21  }
0x14: {  	s6 =	sor.u32 $0x3000, s2;
	s5 =	sadd.s32 s5, s8;
	s9 =	sor.u32 $0x3040, s2  }
0x15: {  	s16 =	sshrl.u32 s2, $0x3;
	[dreg:$0xa] =	wrdreg s22;
	s22 =	simm.s32 $0x68  }
0x16: {  	s25 =	simm.s32 $0x1F0;
	[dreg:$0xd] =	wrdreg s26;
	s26 =	simm.s32 $0x3  }
0x17: {  	s8 =	simm.s32 $0x4;
	[dreg:$0x11] =	wrdreg s15;
	s7 =	sadd.s32 $0x32, s15  }
0x18: {  	s0 =	sadd.s32 s18, s0;
	[dreg:$0x6] =	wrdreg s5;
	s14 =	sshrl.u32 s9, $0x3  }
0x19: {  	s18 =	sshrl.u32 s10, $0x3;
	[dreg:$0xc] =	wrdreg s25;
	s25 =	simm.s32 $0x5120  }
0x1a: {  	s5 =	simm.s32 $0x7;
	s10 =	simm.s32 $0x6;
	[dreg:$0x12] =	wrdreg s7  }
0x1b: {  	s17 =	sshrl.u32 s12, $0x3;
	s0 =	sadd.s32 $0x64, s0;
	[dreg:$0x17] =	wrdreg s18  }
0x1c: {  	s7 =	sshrl.u32 s6, $0x3;
	s15 =	sadd.s32 s14, s20;
	[dreg:$0x16] =	wrdreg s0  }
0x1d: {  	s18 =	simm.s32 $0x1;
	s13 =	sadd.s32 s7, s20;
	[dreg:$0x8] =	wrdreg s15  }
0x1e: {  	s11 =	sadd.s32 s20, s17;
	s17 =	sadd.s32 s16, s20;
	[dreg:$0x7] =	wrdreg s13  }
0x1f: {  	s12 =	simm.s32 $0x8;
	s19 =	sadd.s32 $0x18F980, s11;
	[dreg:$0x9] =	wrdreg s17  }
0x20: {  	s0 =	simm.s32 $0x2;
	s23 =	sadd.s32 $0x18F988, s11;
	[dreg:$0x13] =	wrdreg s19  }
0x21: {  	s7 =	simm.s32 $0x0;
	[dreg:$0x14] =	wrdreg s23;
	s19 =	sshrl.u32 s1, $0x3  }
0x22: {  	s13 =	simm.s32 $0x190;
	s23 =	simm.s32 $0x258;
	[dreg:$0x18] =	wrdreg s19  }
0x23: {  	s1 =	simm.s32 $0x5;
	[dreg:$0xb] =	wrdreg s23;
	s23 =	simm.s32 $0x60  }
.LBB2_1:
0x24: {  	[dreg:$0x19] =	wrdreg s7  }
0x25: {  	s2 =	rddreg [dreg:$0xe]  }
0x26: {  	s17 =	rddreg [dreg:$0xf]  }
0x27: {  	s9 =	rddreg [dreg:$0x17];
	s19 =	simm.s32 $0x9  }
0x28: {  	[spmem:s9], [sflag:s17] =	dma.local [hbm:s2], $0x1388  }
0x29: {  	_ =	swait.ge [sflag:s19], $0x1388  }
0x2a: {  	[sflag:s19] =	ssyncset.done $0x0;
	s6 =	rddreg [dreg:$0x10]  }
0x2b: {  	s11 =	rddreg [dreg:$0x18];
	[sflag:s19] =	ssyncadd.s32 $0xFFFFEC78  }
0x2c: {  	[spmem:s11], [sflag:s17] =	dma.local [hbm:s6], $0x1388  }
0x2d: {  	_ =	swait.ge [sflag:s19], $0x1388  }
0x2e: {  	[sflag:s19] =	ssyncset.done $0x0  }
0x2f: {  	[sflag:s19] =	ssyncadd.s32 $0xFFFFEC78  }
0x30: {  	[bflag:$0x0] =	sbarrier.arrive $0xFFFF  }
0x31: {  	s14 =	simm.s32 $0x0;
	s15 =	rddreg [dreg:$0x11]  }
0x32: {  	[tilespmem:s14], [sflag:$0x1] =	stream.linear.gather [hbm4b:s15+s14], $0x190, $0x38;
	[tilespmem:$0x1A3A0] =	vst v63  }
0x33: {  	s16 =	rddreg [dreg:$0x12]  }
0x34: {  	[tilespmem:s13], [sflag:$0x2] =	stream.linear.gather [hbm4b:s16+s14], $0x190, $0x38;
	[tilespmem:$0x1A3A0] =	vst v63  }
0x35: {  	_ =	swait.ge [sflag:s18], $0x190  }
0x36: {  	p0 =	por $0x0, $0x0;
	[sflag:s18] =	ssyncset.done $0x0  }
0x37: {  	s14 =	simm.s32 @p0 $0x5;
	[sflag:s18] =	ssyncadd.s32 $0xFFFFFE70  }
0x38: {  	_ =	swait.ge @p0 [sflag:s14], $0x1800  }
0x39: {  	[sflag:s14] =	ssyncset.done @p0 $0x0  }
0x3a: {  	[sflag:s14] =	ssyncadd.s32 @p0 $0xFFFFE800;
	s14 =	simm.s32 @p0 $0x7  }
0x3b: {  	_ =	swait.ge @p0 [sflag:s14], $0x1800  }
0x3c: {  	s15 =	simm.s32 @p0 $0x320;
	[sflag:s14] =	ssyncset.done @p0 $0x0  }
0x3d: {  	s16 =	simm.s32 @p0 $0x0;
	[sflag:s14] =	ssyncadd.s32 @p0 $0xFFFFE800;
	s14 =	simm.s32 @p0 $0x60  }
0x3e: {  	[tilespmem:s15], [sflag:$0x3] =	stream.indirect.gather @p0 [spmem:s3], $0x40, s16, s14, $0xb8;
	[tilespmem:$0x1A3A0] =	vst v63  }
0x3f: {  	s17 =	simm.s32 @p0 $0x3720;
	s19 =	simm.s32 @p0 $0x4;
	s15 =	simm.s32 @p0 $0xC8  }
0x40: {  	[tilespmem:s17], [sflag:$0x3] =	stream.indirect.gather @p0 [spmem:s4], $0x40, s15, s14, $0xb8;
	[tilespmem:$0x1A3A0] =	vst v63  }
0x41: {  	s14 =	sadd.s32 @p0 $0x7FFFFFFF, s24;
	_ =	swait.ge @p0 [sflag:s19], $0x1A00  }
0x42: {  	s14 =	smul.u32 @p0 $0x6400, s14;
	[sflag:s19] =	ssyncset.done @p0 $0x0  }
0x43: {  	[sflag:s19] =	ssyncadd.s32 @p0 $0xFFFFE600  }
0x44: {  	s11 =	simm.s32 @p0 $0x80;
	s9 =	sadd.s32 @p0 $0x3000, s14;
	_ =	swait.ge @p0 [sflag:s19], $0x1A00  }
0x45: {  	s15 =	simm.s32 @p0 $0x1D20;
	s9 =	sshrl.u32 @p0 s9, $0x3;
	[sflag:s19] =	ssyncset.done @p0 $0x0  }
0x46: {  	s17 =	simm.s32 @p0 $0x40;
	s9 =	sadd.s32 @p0 s20, s9;
	[sflag:s19] =	ssyncadd.s32 @p0 $0xFFFFE600  }
0x47: {  	[hbm4b:s9+s17] =	stream.strided.scatter @p0 [tilespmem:s15], [sflag:$0x6], $0x1A00, s11, s17, $0x38;
	[tilespmem:$0x1A3A0] =	vst v63  }
0x48: {  	s19 =	rddreg [dreg:$0x5];
	s9 =	sadd.s32 @p0 $0x3040, s14  }
0x49: {  	s14 =	sadd.s32 @p0 $0x7FFFFFFF, s19;
	s9 =	sshrl.u32 @p0 s9, $0x3  }
0x4a: {  	s15 =	simm.s32 @p0 $0x5120;
	s14 =	smul.u32 @p0 $0x32, s14;
	s9 =	sadd.s32 @p0 s20, s9  }
0x4b: {  	[hbm4b:s9+s17] =	stream.strided.scatter @p0 [tilespmem:s15], [sflag:$0x8], $0x1A00, s11, s17, $0x38;
	[tilespmem:$0x1A3A0] =	vst v63  }
0x4c: {  	s9 =	simm.s32 @p0 $0x190;
	s11 =	sadd.s32 @p0 s21, s14;
	s14 =	simm.s32 @p0 $0x6  }
0x4d: {  	[tilespmem:s9], [sflag:$0x2] =	stream.linear.gather @p0 [hbm4b:s11+s16], $0x190, $0x38;
	[tilespmem:$0x1A3A0] =	vst v63  }
0x4e: {  	_ =	swait.ge @p0 [sflag:s14], $0x1A00  }
0x4f: {  	[sflag:s14] =	ssyncset.done @p0 $0x0  }
0x50: {  	s9 =	simm.s32 @p0 $0x8;
	[sflag:s14] =	ssyncadd.s32 @p0 $0xFFFFE600  }
0x51: {  	_ =	swait.ge @p0 [sflag:s9], $0x1A00  }
0x52: {  	s15 =	simm.s32 @!p0 $0x0;
	[sflag:s9] =	ssyncset.done @p0 $0x0  }
0x53: {  	s11 =	simm.s32 @!p0 $0x320;
	s14 =	simm.s32 @!p0 $0x60;
	[sflag:s9] =	ssyncadd.s32 @p0 $0xFFFFE600  }
0x54: {  	[tilespmem:s11], [sflag:$0x3] =	stream.indirect.gather @!p0 [spmem:s3], $0x40, s15, s14, $0xb8;
	[tilespmem:$0x1A3A0] =	vst v63  }
0x55: {  	s9 =	simm.s32 @!p0 $0xC8;
	s11 =	simm.s32 @!p0 $0x3720  }
0x56: {  	[tilespmem:s11], [sflag:$0x3] =	stream.indirect.gather @!p0 [spmem:s4], $0x40, s9, s14, $0xb8;
	[tilespmem:$0x1A3A0] =	vst v63  }
0x57: {  	s19 =	simm.s32 $0x1D20  }
0x58: {  	[tilespmem:s19], [sflag:$0x4] =	stream.indirect.gather [spmem:s3], $0x40, s23, s22, $0xb8;
	[tilespmem:$0x1A3A0] =	vst v63  }
0x59: {  	s17 =	rddreg [dreg:$0xa]  }
0x5a: {  	[tilespmem:s25], [sflag:$0x4] =	stream.indirect.gather [spmem:s4], $0x40, s17, s22, $0xb8;
	[tilespmem:$0x1A3A0] =	vst v63  }
0x5b: {  	_ =	swait.ge [sflag:s26], $0x1800  }
0x5c: {  	[sflag:s26] =	ssyncset.done $0x0  }
0x5d: {  	[sflag:s26] =	ssyncadd.s32 $0xFFFFE800  }
0x5e: {  	_ =	swait.ge [sflag:s26], $0x1800  }
0x5f: {  	s6 =	rddreg [dreg:$0x9];
	[sflag:s26] =	ssyncset.done $0x0  }
0x60: {  	[sflag:s26] =	ssyncadd.s32 $0xFFFFE800;
	s9 =	sadd.s32 $0x0, s6  }
0x61: {  	[hbm4b:s9+s28] =	stream.strided.scatter [tilespmem:s30], [sflag:$0x5], $0x1800, s29, s28, $0x38;
	[tilespmem:$0x1A3A0] =	vst v63  }
0x62: {  	s9 =	sadd.s32 $0x8, s9  }
0x63: {  	[hbm4b:s9+s28] =	stream.strided.scatter [tilespmem:s31], [sflag:$0x7], $0x1800, s29, s28, $0x38;
	[tilespmem:$0x1A3A0] =	vst v63  }
0x64: {  	_ =	swait.ge [sflag:s0], $0x190  }
0x65: {  	[sflag:s0] =	ssyncset.done $0x0  }
0x66: {  	[sflag:s0] =	ssyncadd.s32 $0xFFFFFE70  }
0x67: {  	_ =	swait.ge [sflag:s1], $0x1800  }
0x68: {  	[sflag:s1] =	ssyncset.done $0x0  }
0x69: {  	[sflag:s1] =	ssyncadd.s32 $0xFFFFE800  }
0x6a: {  	_ =	swait.ge [sflag:s5], $0x1800  }
0x6b: {  	[sflag:s5] =	ssyncset.done $0x0  }
0x6c: {  	[sflag:s5] =	ssyncadd.s32 $0xFFFFE800  }
0x6d: {  	[tilespmem:s30], [sflag:$0x3] =	stream.indirect.gather [spmem:s3], $0x40, s13, s23, $0xb8;
	[tilespmem:$0x1A3A0] =	vst v63  }
0x6e: {  	s7 =	rddreg [dreg:$0xb]  }
0x6f: {  	[tilespmem:s31], [sflag:$0x3] =	stream.indirect.gather [spmem:s4], $0x40, s7, s23, $0xb8;
	[tilespmem:$0x1A3A0] =	vst v63  }
0x70: {  	_ =	swait.ge [sflag:s8], $0x1A00  }
0x71: {  	[sflag:s8] =	ssyncset.done $0x0  }
0x72: {  	[sflag:s8] =	ssyncadd.s32 $0xFFFFE600  }
0x73: {  	_ =	swait.ge [sflag:s8], $0x1A00  }
0x74: {  	s11 =	rddreg [dreg:$0x7];
	[sflag:s8] =	ssyncset.done $0x0  }
0x75: {  	s13 =	rddreg [dreg:$0x8];
	[sflag:s8] =	ssyncadd.s32 $0xFFFFE600;
	s9 =	sadd.s32 $0x0, s11  }
0x76: {  	[hbm4b:s9+s28] =	stream.strided.scatter [tilespmem:s19], [sflag:$0x6], $0x1A00, s29, s28, $0x38;
	[tilespmem:$0x1A3A0] =	vst v63  }
0x77: {  	p0 =	por $0x0, $0x0;
	s14 =	sadd.s32 $0x0, s13  }
0x78: {  	[hbm4b:s14+s28] =	stream.strided.scatter [tilespmem:s25], [sflag:$0x8], $0x1A00, s29, s28, $0x38;
	[tilespmem:$0x1A3A0] =	vst v63  }
0x79: {  	s16 =	rddreg [dreg:$0x16];
	s9 =	simm.s32 @!p0 $0x0  }
0x7a: {  	[tilespmem:s9], [sflag:$0x1] =	stream.linear.gather @!p0 [hbm4b:s16+s9], $0x190, $0x38;
	[tilespmem:$0x1A3A0] =	vst v63  }
0x7b: {  	_ =	swait.ge [sflag:s10], $0x1A00  }
0x7c: {  	[sflag:s10] =	ssyncset.done $0x0  }
0x7d: {  	[sflag:s10] =	ssyncadd.s32 $0xFFFFE600  }
0x7e: {  	_ =	swait.ge [sflag:s12], $0x1A00  }
0x7f: {  	[sflag:s12] =	ssyncset.done $0x0  }
0x80: {  	s15 =	rddreg [dreg:$0xc];
	[sflag:s12] =	ssyncadd.s32 $0xFFFFE600  }
0x81: {  	[tilespmem:s19], [sflag:$0x4] =	stream.indirect.gather [spmem:s3], $0x40, s15, s22, $0xb8;
	[tilespmem:$0x1A3A0] =	vst v63  }
0x82: {  	s17 =	rddreg [dreg:$0xd]  }
0x83: {  	[tilespmem:s25], [sflag:$0x4] =	stream.indirect.gather [spmem:s4], $0x40, s17, s22, $0xb8;
	[tilespmem:$0x1A3A0] =	vst v63  }
0x84: {  	_ =	swait.ge [sflag:s26], $0x1800  }
0x85: {  	[sflag:s26] =	ssyncset.done $0x0  }
0x86: {  	[sflag:s26] =	ssyncadd.s32 $0xFFFFE800  }
0x87: {  	_ =	swait.ge [sflag:s26], $0x1800  }
0x88: {  	s14 =	simm.s32 $0xFFFFFFFE;
	s19 =	rddreg [dreg:$0x6]  }
0x89: {  	s15 =	simm.s32 $0x1900;
	[sflag:s26] =	ssyncset.done $0x0;
	s9 =	sadd.s32 $0x0, s19  }
0x8a: {  	[sflag:s26] =	ssyncadd.s32 $0xFFFFE800;
	s23 =	sadd.s32 $0xC80, s9;
	s19 =	sadd.s32 $0xC88, s9  }
0x8b: {  	[hbm4b:s23+s28] =	stream.strided.scatter [tilespmem:s30], [sflag:$0x5], $0x1800, s29, s28, $0x38;
	[tilespmem:$0x1A3A0] =	vst v63  }
.LBB2_2:
0x8c: {  	[hbm4b:s19+s28] =	stream.strided.scatter [tilespmem:s31], [sflag:$0x7], $0x1800, s29, s28, $0x38;
	[tilespmem:$0x1A3A0] =	vst v63  }
0x8d: {  	s17 =	smov.u32 s15;
	_ =	swait.ge [sflag:s18], $0x190  }
0x8e: {  	p1 =	sne.s32 s17, $0x0;
	[sflag:s18] =	ssyncset.done $0x0  }
0x8f: {  	s9 =	simm.s32 @p1 $0x5;
	[sflag:s18] =	ssyncadd.s32 $0xFFFFFE70  }
0x90: {  	_ =	swait.ge @p1 [sflag:s9], $0x1800  }
0x91: {  	[sflag:s9] =	ssyncset.done @p1 $0x0  }
0x92: {  	s14 =	sadd.s32 $0x4, s14;
	[sflag:s9] =	ssyncadd.s32 @p1 $0xFFFFE800;
	s9 =	simm.s32 @p1 $0x7  }
0x93: {  	s23 =	smov.u32 s21;
	s21 =	smov.u32 s20;
	_ =	swait.ge @p1 [sflag:s9], $0x1800  }
0x94: {  	s11 =	simm.s32 @p1 $0x320;
	s19 =	sshrl.u32 @p1 s14, $0x1;
	[sflag:s9] =	ssyncset.done @p1 $0x0  }
0x95: {  	s18 =	simm.s32 @p1 $0x0;
	[sflag:s9] =	ssyncadd.s32 @p1 $0xFFFFE800;
	s9 =	simm.s32 @p1 $0x60  }
0x96: {  	[tilespmem:s11], [sflag:$0x3] =	stream.indirect.gather @p1 [spmem:s3], $0x40, s18, s9, $0xb8;
	[tilespmem:$0x1A3A0] =	vst v63  }
0x97: {  	s13 =	simm.s32 @p1 $0x3720;
	s20 =	simm.s32 @p1 $0x4;
	s11 =	simm.s32 @p1 $0xC8  }
0x98: {  	[tilespmem:s13], [sflag:$0x3] =	stream.indirect.gather @p1 [spmem:s4], $0x40, s11, s9, $0xb8;
	[tilespmem:$0x1A3A0] =	vst v63  }
0x99: {  	s9 =	sadd.s32 @p1 s24, s19;
	_ =	swait.ge @p1 [sflag:s20], $0x1A00  }
0x9a: {  	s2 =	simm.s32 @p1 $0x80;
	s9 =	smul.u32 @p1 $0x6400, s9;
	[sflag:s20] =	ssyncset.done @p1 $0x0  }
0x9b: {  	s11 =	simm.s32 @p1 $0x1D20;
	s13 =	simm.s32 @p1 $0x40;
	[sflag:s20] =	ssyncadd.s32 @p1 $0xFFFFE600  }
0x9c: {  	s6 =	sadd.s32 @p1 $0x3000, s9;
	s9 =	sadd.s32 @p1 $0x3040, s9;
	_ =	swait.ge @p1 [sflag:s20], $0x1A00  }
0x9d: {  	s6 =	sshrl.u32 @p1 s6, $0x3;
	s9 =	sshrl.u32 @p1 s9, $0x3;
	[sflag:s20] =	ssyncset.done @p1 $0x0  }
0x9e: {  	s7 =	rddreg [dreg:$0x5];
	[sflag:s20] =	ssyncadd.s32 @p1 $0xFFFFE600;
	s20 =	smov.u32 s21  }
0x9f: {  	s21 =	smov.u32 s23;
	s7 =	sadd.s32 @p1 s19, s7;
	s6 =	sadd.s32 @p1 s20, s6  }
0xa0: {  	[hbm4b:s6+s13] =	stream.strided.scatter @p1 [tilespmem:s11], [sflag:$0x6], $0x1A00, s2, s13, $0x38;
	[tilespmem:$0x1A3A0] =	vst v63  }
0xa1: {  	s7 =	smul.u32 @p1 $0x32, s7;
	s6 =	sadd.s32 @p1 s20, s9;
	s9 =	simm.s32 @p1 $0x5120  }
0xa2: {  	[hbm4b:s6+s13] =	stream.strided.scatter @p1 [tilespmem:s9], [sflag:$0x8], $0x1A00, s2, s13, $0x38;
	[tilespmem:$0x1A3A0] =	vst v63  }
0xa3: {  	s11 =	simm.s32 @p1 $0x190;
	s2 =	sadd.s32 @p1 s21, s7;
	s6 =	simm.s32 @p1 $0x6  }
0xa4: {  	[tilespmem:s11], [sflag:$0x2] =	stream.linear.gather @p1 [hbm4b:s2+s18], $0x190, $0x38;
	[tilespmem:$0x1A3A0] =	vst v63  }
0xa5: {  	_ =	swait.ge @p1 [sflag:s6], $0x1A00  }
0xa6: {  	[sflag:s6] =	ssyncset.done @p1 $0x0  }
0xa7: {  	s2 =	simm.s32 @p1 $0x8;
	[sflag:s6] =	ssyncadd.s32 @p1 $0xFFFFE600  }
0xa8: {  	_ =	swait.ge @p1 [sflag:s2], $0x1A00  }
0xa9: {  	s7 =	simm.s32 @!p1 $0x60;
	[sflag:s2] =	ssyncset.done @p1 $0x0  }
0xaa: {  	s9 =	simm.s32 @!p1 $0x0;
	s6 =	simm.s32 @!p1 $0x320;
	[sflag:s2] =	ssyncadd.s32 @p1 $0xFFFFE600  }
0xab: {  	[tilespmem:s6], [sflag:$0x3] =	stream.indirect.gather @!p1 [spmem:s3], $0x40, s9, s7, $0xb8;
	[tilespmem:$0x1A3A0] =	vst v63  }
0xac: {  	s11 =	simm.s32 @!p1 $0x3720;
	s2 =	simm.s32 @!p1 $0xC8  }
0xad: {  	[tilespmem:s11], [sflag:$0x3] =	stream.indirect.gather @!p1 [spmem:s4], $0x40, s2, s7, $0xb8;
	[tilespmem:$0x1A3A0] =	vst v63  }
0xae: {  	s23 =	simm.s32 $0x60;
	s7 =	simm.s32 $0x1D20  }
0xaf: {  	[tilespmem:s7], [sflag:$0x4] =	stream.indirect.gather [spmem:s3], $0x40, s23, s22, $0xb8;
	[tilespmem:$0x1A3A0] =	vst v63  }
0xb0: {  	s19 =	rddreg [dreg:$0xa]  }
0xb1: {  	[tilespmem:s25], [sflag:$0x4] =	stream.indirect.gather [spmem:s4], $0x40, s19, s22, $0xb8;
	[tilespmem:$0x1A3A0] =	vst v63  }
0xb2: {  	_ =	swait.ge [sflag:s26], $0x1800  }
0xb3: {  	[sflag:s26] =	ssyncset.done $0x0  }
0xb4: {  	[sflag:s26] =	ssyncadd.s32 $0xFFFFE800  }
0xb5: {  	_ =	swait.ge [sflag:s26], $0x1800  }
0xb6: {  	s6 =	rddreg [dreg:$0x9];
	[sflag:s26] =	ssyncset.done $0x0  }
0xb7: {  	[sflag:s26] =	ssyncadd.s32 $0xFFFFE800;
	s2 =	sadd.s32 s17, s6  }
0xb8: {  	[hbm4b:s2+s28] =	stream.strided.scatter [tilespmem:s30], [sflag:$0x5], $0x1800, s29, s28, $0x38;
	[tilespmem:$0x1A3A0] =	vst v63  }
0xb9: {  	s2 =	sadd.s32 $0x8, s2  }
0xba: {  	[hbm4b:s2+s28] =	stream.strided.scatter [tilespmem:s31], [sflag:$0x7], $0x1800, s29, s28, $0x38;
	[tilespmem:$0x1A3A0] =	vst v63  }
0xbb: {  	_ =	swait.ge [sflag:s0], $0x190  }
0xbc: {  	[sflag:s0] =	ssyncset.done $0x0  }
0xbd: {  	[sflag:s0] =	ssyncadd.s32 $0xFFFFFE70  }
0xbe: {  	_ =	swait.ge [sflag:s1], $0x1800  }
0xbf: {  	[sflag:s1] =	ssyncset.done $0x0  }
0xc0: {  	[sflag:s1] =	ssyncadd.s32 $0xFFFFE800  }
0xc1: {  	_ =	swait.ge [sflag:s5], $0x1800  }
0xc2: {  	[sflag:s5] =	ssyncset.done $0x0  }
0xc3: {  	s13 =	simm.s32 $0x190;
	[sflag:s5] =	ssyncadd.s32 $0xFFFFE800  }
0xc4: {  	[tilespmem:s30], [sflag:$0x3] =	stream.indirect.gather [spmem:s3], $0x40, s13, s23, $0xb8;
	[tilespmem:$0x1A3A0] =	vst v63  }
0xc5: {  	s9 =	rddreg [dreg:$0xb]  }
0xc6: {  	[tilespmem:s31], [sflag:$0x3] =	stream.indirect.gather [spmem:s4], $0x40, s9, s23, $0xb8;
	[tilespmem:$0x1A3A0] =	vst v63  }
0xc7: {  	_ =	swait.ge [sflag:s8], $0x1A00  }
0xc8: {  	[sflag:s8] =	ssyncset.done $0x0  }
0xc9: {  	[sflag:s8] =	ssyncadd.s32 $0xFFFFE600  }
0xca: {  	_ =	swait.ge [sflag:s8], $0x1A00  }
0xcb: {  	s11 =	rddreg [dreg:$0x7];
	[sflag:s8] =	ssyncset.done $0x0  }
0xcc: {  	s19 =	rddreg [dreg:$0x8];
	[sflag:s8] =	ssyncadd.s32 $0xFFFFE600;
	s2 =	sadd.s32 s17, s11  }
0xcd: {  	[hbm4b:s2+s28] =	stream.strided.scatter [tilespmem:s7], [sflag:$0x6], $0x1A00, s29, s28, $0x38;
	[tilespmem:$0x1A3A0] =	vst v63  }
0xce: {  	p1 =	seq.s32 s17, $0x18E700;
	s9 =	sadd.s32 s17, s19  }
0xcf: {  	[hbm4b:s9+s28] =	stream.strided.scatter [tilespmem:s25], [sflag:$0x8], $0x1A00, s29, s28, $0x38;
	[tilespmem:$0x1A3A0] =	vst v63  }
0xd0: {  	s16 =	sadd.s32 $0x64, s16;
	s2 =	simm.s32 @!p1 $0x0  }
0xd1: {  	[tilespmem:s2], [sflag:$0x1] =	stream.linear.gather @!p1 [hbm4b:s16+s2], $0x190, $0x38;
	[tilespmem:$0x1A3A0] =	vst v63  }
0xd2: {  	_ =	swait.ge [sflag:s10], $0x1A00  }
0xd3: {  	[sflag:s10] =	ssyncset.done $0x0  }
0xd4: {  	[sflag:s10] =	ssyncadd.s32 $0xFFFFE600  }
0xd5: {  	_ =	swait.ge [sflag:s12], $0x1A00  }
0xd6: {  	[sflag:s12] =	ssyncset.done $0x0  }
0xd7: {  	s11 =	rddreg [dreg:$0xc];
	[sflag:s12] =	ssyncadd.s32 $0xFFFFE600  }
0xd8: {  	[tilespmem:s7], [sflag:$0x4] =	stream.indirect.gather [spmem:s3], $0x40, s11, s22, $0xb8;
	[tilespmem:$0x1A3A0] =	vst v63  }
0xd9: {  	s19 =	rddreg [dreg:$0xd]  }
0xda: {  	[tilespmem:s25], [sflag:$0x4] =	stream.indirect.gather [spmem:s4], $0x40, s19, s22, $0xb8;
	[tilespmem:$0x1A3A0] =	vst v63  }
0xdb: {  	_ =	swait.ge [sflag:s26], $0x1800  }
0xdc: {  	s15 =	sadd.s32 $0x1900, s15;
	[sflag:s26] =	ssyncset.done $0x0  }
0xdd: {  	p0 =	sne.s32 s15, $0x190000;
	[sflag:s26] =	ssyncadd.s32 $0xFFFFE800  }
.Ltmp0:
0xde: {  	_ =	swait.ge [sflag:s26], $0x1800;
	(pc) =	sbr.rel @p0 .LBB2_2-.Ltmp0, $4  }
0xdf: {  	s18 =	simm.s32 $0x1;
	s11 =	rddreg [dreg:$0x6]  }
0xe0: {  	s9 =	simm.s32 $0x1D20;
	[sflag:s26] =	ssyncset.done $0x0;
	s2 =	sadd.s32 s17, s11  }
0xe1: {  	[sflag:s26] =	ssyncadd.s32 $0xFFFFE800;
	s17 =	sadd.s32 $0xC80, s2;
	s19 =	sadd.s32 $0xC88, s2  }
0xe2: {  	[hbm4b:s17+s28] =	stream.strided.scatter [tilespmem:s30], [sflag:$0x5], $0x1800, s29, s28, $0x38;
	[tilespmem:$0x1A3A0] =	vst v63  }
0xe3: {  	[hbm4b:s19+s28] =	stream.strided.scatter [tilespmem:s31], [sflag:$0x7], $0x1800, s29, s28, $0x38;
	[tilespmem:$0x1A3A0] =	vst v63  }
0xe4: {  	_ =	swait.ge [sflag:s8], $0x1A00  }
0xe5: {  	[sflag:s8] =	ssyncset.done $0x0  }
0xe6: {  	[sflag:s8] =	ssyncadd.s32 $0xFFFFE600  }
0xe7: {  	_ =	swait.ge [sflag:s8], $0x1A00  }
0xe8: {  	[sflag:s8] =	ssyncset.done $0x0  }
0xe9: {  	s2 =	rddreg [dreg:$0x13];
	[sflag:s8] =	ssyncadd.s32 $0xFFFFE600  }
0xea: {  	[hbm4b:s2+s28] =	stream.strided.scatter [tilespmem:s9], [sflag:$0x6], $0x1A00, s29, s28, $0x38;
	[tilespmem:$0x1A3A0] =	vst v63  }
0xeb: {  	s17 =	rddreg [dreg:$0x14]  }
0xec: {  	[hbm4b:s17+s28] =	stream.strided.scatter [tilespmem:s25], [sflag:$0x8], $0x1A00, s29, s28, $0x38;
	[tilespmem:$0x1A3A0] =	vst v63  }
0xed: {  	_ =	swait.ge [sflag:s1], $0x1800  }
0xee: {  	[sflag:s1] =	ssyncset.done $0x0  }
0xef: {  	[sflag:s1] =	ssyncadd.s32 $0xFFFFE800  }
0xf0: {  	_ =	swait.ge [sflag:s5], $0x1800  }
0xf1: {  	[sflag:s5] =	ssyncset.done $0x0  }
0xf2: {  	[sflag:s5] =	ssyncadd.s32 $0xFFFFE800  }
0xf3: {  	_ =	swait.ge [sflag:s10], $0x1A00  }
0xf4: {  	[sflag:s10] =	ssyncset.done $0x0  }
0xf5: {  	[sflag:s10] =	ssyncadd.s32 $0xFFFFE600  }
0xf6: {  	_ =	swait.ge [sflag:s12], $0x1A00  }
0xf7: {  	s7 =	rddreg [dreg:$0x19]  }
0xf8: {  	s19 =	rddreg [dreg:$0x15];
	s7 =	sadd.s32 $0x1, s7  }
0xf9: {  	p0 =	sne.s32 s7, s19  }
.Ltmp1:
0xfa: {  	_ = 	snop;
	(pc) =	sbr.rel @p0 .LBB2_1-.Ltmp1, $3  }
0xfb: {  	_ =	sdelay $0x1  }
0xfc: {  	[sflag:s12] =	ssyncset.done $0x0  }
0xfd: {  	[sflag:s12] =	ssyncadd.s32 $0xFFFFE600  }
0xfe: {  	_ =	sfence.sel $0x180000  }
0xff: {  	[bflag:$0x0] =	sbarrier.arrive $0xFFFF  }
0x100: {  	_ =	strace $0x90000047  }
0x101: {  	s0 =	stileid.u32;
	[bflag:$0x2] =	sbarrier.arrive $0xFFFF  }
0x102: {  	p0 =	sne.s32 s0, $0x0;
	s0 =	rddreg [dreg:$0x4]  }
0x103: {  	s0 =	sadd.s32 @!p0 $0x100000, s0  }
0x104: {  	[sflag:s0] =	ssyncadd.tile.s32 @!p0 $0x1;
	_ =	shalt  }
.Lfunc_end2:
_tile_overlayer_lowered:
.L_overlay_start_2:
0x105: {  	(tag) =	ssettag $0x2  }
0x106: {  	s0 =	rddreg [dreg:$0x0];
	s2 =	stileid.u32  }
0x107: {  	s1 =	rddreg [dreg:$0x1];
	p0 =	sne.s32 s2, $0x0  }
0x108: {  	s3 =	rddreg [dreg:$0x2];
	[bflag:$0x3] =	sbarrier.arrive $0xFFFF;
	s2 =	simm.s32 @!p0 $0x1C09  }
0x109: {  	[timem:s3], [sflag:s2] =	dma.local @!p0 [hbm:s0], s1  }
0x10a: {  	s0 =	simm.s32 @!p0 $0x9  }
0x10b: {  	_ =	swait.ge @!p0 [sflag:s0], s1  }
0x10c: {  	s1 =	ssub.s32 @!p0 $0x0, s1;
	[sflag:s0] =	ssyncset.done @!p0 $0x0  }
0x10d: {  	[sflag:s0] =	ssyncadd.s32 @!p0 s1  }
0x10e: {  	[bflag:$0x3] =	sbarrier.arrive $0xFFFF  }
0x10f: {  	_ =	shalt  }

// kernel: sparse-core-data-format-call.cloned.1.call-start
scs
called_computation_lowered:
.L_overlay_start_0:
0x0: {  	s2 =	sld [smem:$0x3FD9]  }
0x1: {  	s3 =	sld [smem:$0x3FFE];
	_ =	sdelay $0x1  }
0x2: {  	s1 =	srdreg.scid  }
0x3: {  	s0 =	sand.u32 $0x1, s1  }
0x4: {  	s18 =	sshll.u32 s0, $0xA;
	s2 =	sadd.s32 s3, s2  }
0x5: {  	s2 =	sadd.s32 s2, s18  }
0x6: {  	[smem:$0x3FC5] =	sst s2  }
0x7: {  	_ = 	snop  }
0x8: {  	s2 =	sld [smem:$0x3FD0];
	(tm) =	ssettm $0x1  }
0x9: {  	s19 =	sld [smem:$0x3FFB];
	_ =	sdelay $0x3  }
0xa: {  	_ =	strace s19  }
0xb: {  	s3 =	sld [smem:$0x3FFC];
	_ =	sdelay $0x3  }
0xc: {  	_ =	strace s3  }
0xd: {  	s3 =	sld [smem:$0x3FFD];
	_ =	sdelay $0x3  }
0xe: {  	_ =	strace s3  }
0xf: {  	_ =	strace $0x8FFFFFFF  }
0x10: {  	s20 =	sld [smem:$0x3FDB];
	_ =	sdelay $0x1  }
0x11: {  	s4 =	simm.s32 $_scs_section_size  }
0x12: {  	s5 =	simm.s32 $_size__tile_overlayer_lowered;
	s6 =	simm.s32 $_tile_overlayer_lowered  }
0x13: {  	s23 =	simm.s32 $0x1BFF;
	s22 =	sshll.u32 s6, $0x1;
	s3 =	sadd.s32 s4, s20  }
0x14: {  	s7 =	simm.s32 $0x0;
	s21 =	sshll.u32 s5, $0x1;
	s5 =	sadd.s32 s22, s3  }
0x15: {  	[timem:s7], [sflag:s23] =	dma.local [hbm:s5], s21  }
0x16: {  	_ =	swait.ge [sflag:s23], s21  }
0x17: {  	s4 =	ssub.s32 $0x0, s21;
	[sflag:s23] =	ssyncset.done $0x0  }
0x18: {  	[sflag:s23] =	ssyncadd.s32 s4;
	_ =	sdelay $0x1  }
0x19: {  	s24 =	simm.s32 $0x1B8B  }
0x1a: {  	_ =	swait.ge [sflag:s24], $0x1  }
0x1b: {  	[sflag:s24] =	ssyncset.done $0x0  }
0x1c: {  	s26 =	simm.s32 $0x1B8E;
	s25 =	sld [smem:$0x3FFE];
	[sflag:s24] =	ssyncadd.s32 $0xFFFFFFFF  }
0x1d: {  	s27 =	simm.s32 $execute0_lowered;
	[smem:$0x3FD2] =	sst s26  }
0x1e: {  	s5 =	sshll.u32 s27, $0x1;
	_ =	strace $0x80000049;
	[dreg:$0x1] =	wrdreg $0xFFFFFFFF  }
0x1f: {  	s28 =	simm.s32 $_size_execute0_lowered;
	s3 =	sadd.s32 s3, s5;
	[dreg:$0x0] =	wrdreg $0x0  }
0x20: {  	s5 =	sshll.u32 s28, $0x1;
	[dreg:$0x2] =	wrdreg s3  }
0x21: {  	[dreg:$0x3] =	wrdreg s5  }
0x22: {  	[dreg:$0x4] =	wrdreg $0xC0  }
0x23: {  	_ =	task [dreg:s7], $0x5FFFF  }
0x24: {  	[dreg:$0x1] =	wrdreg $0xFFFFFFFF  }
0x25: {  	[dreg:$0x0] =	wrdreg $0x60  }
0x26: {  	[dreg:$0x2] =	wrdreg s25  }
0x27: {  	[dreg:$0x3] =	wrdreg s2  }
0x28: {  	[dreg:$0x4] =	wrdreg $0x9  }
0x29: {  	_ =	task.clear_ibuf [dreg:s7], $0x5FFFF;
	_ =	strace $0x90000049  }
0x2a: {  	s29 =	simm.s32 $0x9;
	_ =	strace $0x8000004B  }
0x2b: {  	_ =	swait.ge [sflag:s29], $0x1  }
0x2c: {  	[sflag:s29] =	ssyncadd.s32 $0xFFFFFFFF  }
0x2d: {  	_ =	strace $0x9000004B  }
0x2e: {  	_ =	sfence  }
0x2f: {  	s30 =	sld [smem:$0x0];
	_ =	sdelay $0x2  }
0x30: {  	s31 =	sshll.u32 s1, $0xD;
	s1 =	sshrl.u32 s1, $0x2  }
0x31: {  	s3 =	sand.u32 $0x4000, s31;
	s1 =	sadd.s32 s1, s30  }
0x32: {  	s0 =	sor.u32 s3, s0;
	s1 =	sshll.u32 s1, $0x11  }
0x33: {  	s0 =	sor.u32 s1, s0  }
0x34: {  	s0 =	sadd.s32 $0x8F2B, s0  }
0x35: {  	[sflag:s0] =	ssyncadd.remote.s32 $0x1  }
0x36: {  	_ =	sfence.sel $0xFFFF  }
0x37: {  	[dreg:$0x0] =	wrdreg $0xFFFFFFFF;
	(pc) =	sbr.abs _section_cstart, $3  }
0x38: {  	[dreg:$0x1] =	wrdreg $0xFFFFFFFF  }
0x39: {  	_ =	task.clear_ibuf [dreg:s7], $0x2FFFF;
	_ =	strace $0x9FFFFFFF  }
0x3a: {  	(tm) =	ssettm $0x7FFFFFFF  }
0x3b: {  	_ =	shalt  }
tec
execute0_lowered:
.L_overlay_start_1:
0x0: {  	(tag) =	ssettag $0x1  }
0x1: {  	s0 =	srdreg.scid  }
0x2: {  	s1 =	sshll.u32 s0, $0x4  }
0x3: {  	s6 =	rddreg [dreg:$0x0];
	s0 =	stileid.u32;
	s1 =	sand.u32 $0x10, s1  }
0x4: {  	s3 =	rddreg [dreg:$0x1];
	s1 =	sor.u32 s0, s1  }
0x5: {  	s7 =	simm.s32 $0x1;
	s8 =	simm.s32 $0x2;
	s2 =	sshll.u32 s1, $0x7  }
0x6: {  	s11 =	simm.s32 $0x0;
	s10 =	simm.s32 $0x0;
	s5 =	ssub.s32 $0x320000, s2  }
.Ltmp0:
0x7: {  	s6 =	sadd.s32 $0xA00, s6;
	s4 =	sand.u32 $0xF80, s5;
	(pc) =	sbr.rel .LBB1_1-.Ltmp0, $4  }
0x8: {  	s1 =	rddreg [dreg:$0x2];
	_ =	strace $0x8000004A;
	p0 =	sne.s32 s4, $0x0  }
0x9: {  	s5 =	sshrl.u32 s5, $0xC;
	s4 =	simm.s32 $0x1;
	s7 =	simm.s32 @!p0 $0x0  }
0xa: {  	s9 =	smov.u32 s2;
	[sflag:s4] =	ssyncpa.u1 $0x0;
	s5 =	sadd.s32 s7, s5  }
0xb: {  	[sflag:s8] =	ssyncpa.u1 $0x0;
	s8 =	simm.s32 $0x1900000;
	s7 =	sadd.s32 $0x1, s5  }
.LBB1_7:
0xc: {  	s13 =	sadd.s32 $0x1000, s9  }
0xd: {  	p1 =	sgt.s32 s13, $0x31FFFF  }
0xe: {  	s13 =	smov.u32 @p1 s2;
	p1 =	sne.s32 s10, s7  }
.Ltmp1:
0xf: {  	p0 =	slt.u32 s10, $0x2;
	(pc) =	sbr.rel @!p1 .LBB1_8-.Ltmp1, $4  }
0x10: {  	s12 =	simm.s32 @!p0 $0x2  }
0x11: {  	_ =	swait.ge @!p0 [sflag:s12], $0x4000  }
0x12: {  	s14 =	sadd.s32 $0x1, s10;
	s11 =	smov.u32 s9;
	[sflag:s12] =	ssyncset.done @!p0 $0x0  }
0x13: {  	s10 =	smov.u32 s14;
	s9 =	smov.u32 s13;
	[sflag:s12] =	ssyncadd.s32 @!p0 $0xFFFFC000  }
.LBB1_1:
0x14: {  	p0 =	sge.u32 s10, s5  }
0x15: {  	s31 =	sadd.s32 $0xFFFFFFFF, s10;
	s12 =	sxor.u32 @!p0 $0xFFFFFFFF, s10  }
0x16: {  	s13 =	sshll.u32 @!p0 s9, $0x5;
	s14 =	simm.s32 @!p0 $0x40;
	s12 =	sshll.u32 @!p0 s12, $0xE  }
0x17: {  	s15 =	simm.s32 @!p0 $0x80;
	s13 =	sadd.s32 @!p0 s6, s13;
	s12 =	sand.u32 @!p0 $0x4000, s12  }
0x18: {  	[tilespmem:s12], [sflag:$0x1] =	stream.strided.gather @!p0 [hbm4b:s13+s14], $0x4000, s15, s14, $0x38;
	[tilespmem:$0x10100] =	vst v63  }
0x19: {  	p0 =	sge.u32 s31, s5  }
.Ltmp2:
0x1a: {  	_ = 	snop;
	(pc) =	sbr.rel @p0 .LBB1_7-.Ltmp2, $1  }
0x1b: {  	_ =	sdelay $0x3  }
0x1c: {  	s12 =	sand.u32 $0x1, s10  }
0x1d: {  	_ =	swait.ge [sflag:s4], $0x4000;
	s13 =	smul.u32 $0x10200, s12  }
0x1e: {  	[sflag:s4] =	ssyncset.done $0x0  }
0x1f: {  	[sflag:s4] =	ssyncadd.s32 $0xFFFFC000;
	s14 =	sshrl.u32 s13, $0x2  }
0x20: {  	s13 =	sshll.u32 s12, $0xE;
	s12 =	sor.u32 $0x8000, s14;
	s14 =	simm.s32 $0x0  }
.LBB1_3:
0x21: {  	s15 =	sshll.u32 s14, $0x7  }
0x22: {  	s15 =	sand.u32 $0x3FFFFF80, s15  }
0x23: {  	s15 =	sadd.s32 s15, s13  }
0x24: {  	v0 =	vmov s15;
	_ =	sdelay $0x1  }
0x25: {  	p0 =	por $0x1, $0x1;
	s15 =	simm.s32 $0x0  }
.LBB1_4:
0x26: {  	s16 =	sshll.u32 s15, $0x6  }
0x27: {  	s16 =	sand.u32 $0x3FFFFFC0, s16  }
0x28: {  	s31 =	smul.u32 $0x8100, s15;
	v1 =	vld.idx.msk [tilespmem:v0+s16+$0x0 ss:$0x1], $0xffff  }
0x29: {  	v2 =	vld.idx.msk [tilespmem:v0+s16+$0x10 ss:$0x1], $0xffff  }
0x2a: {  	s15 =	sshra.s32 s31, $0x2;
	v3 =	vld.idx.msk [tilespmem:v0+s16+$0x20 ss:$0x1], $0xffff  }
0x2b: {  	p1 =	por p0, p0;
	v4 =	vld.idx.msk [tilespmem:v0+s16+$0x30 ss:$0x1], $0xffff;
	s15 =	sadd.s32 s15, s12  }
.Ltmp3:
0x2c: {  	s15 =	sadd.s32 s14, s15;
	(pc) =	sbr.rel @p1 .LBB1_4-.Ltmp3, $4  }
0x2d: {  	[tilespmem:s15+$0x0 ss:$0x81] =	vst.msk $0xffff, v1  }
0x2e: {  	[tilespmem:s15+$0x810 ss:$0x81] =	vst.msk $0xffff, v2  }
0x2f: {  	[tilespmem:s15+$0x1020 ss:$0x81] =	vst.msk $0xffff, v3  }
0x30: {  	p0 =	por $0x0, $0x0;
	[tilespmem:s15+$0x1830 ss:$0x81] =	vst.msk $0xffff, v4;
	s15 =	simm.s32 $0x1  }
0x31: {  	s14 =	sadd.s32 $0x1, s14  }
0x32: {  	p0 =	sne.s32 s14, $0x80  }
.Ltmp4:
0x33: {  	_ = 	snop;
	(pc) =	sbr.rel @p0 .LBB1_3-.Ltmp4, $1  }
0x34: {  	_ =	sdelay $0x3  }
0x35: {  	s13 =	sshll.u32 s11, $0x3  }
0x36: {  	s30 =	sand.u32 $0x7F, s11;
	s14 =	sand.u32 $0xFFFFFC00, s13  }
0x37: {  	s13 =	smulhi.u32 $0x51EB851F, s13;
	s11 =	sor.u32 s30, s14  }
0x38: {  	s14 =	smulhi.u32 $0x51EB851F, s11;
	_ =	sdelay $0x1  }
0x39: {  	s13 =	sshrl.u32 s13, $0x14;
	s14 =	sshrl.u32 s14, $0x14  }
0x3a: {  	s13 =	sand.u32 $0x3F, s13;
	s14 =	smul.u32 $0x320000, s14  }
0x3b: {  	s13 =	smul.u32 $0x64000, s13  }
.Ltmp5:
0x3c: {  	s11 =	ssub.s32 s11, s14;
	(pc) =	sbr.rel .LBB1_7-.Ltmp5, $4  }
0x3d: {  	s14 =	sand.u32 $0x7, s11  }
0x3e: {  	s13 =	sadd.s32 s3, s13;
	s11 =	sshrl.u32 s11, $0x3;
	s14 =	sshll.u32 s14, $0x12  }
0x3f: {  	s11 =	sadd.s32 s11, s13;
	s31 =	sor.u32 $0x400, s14  }
0x40: {  	[hbm4b:s11+s31] =	stream.strided.scatter [tilespmem:s12], [sflag:$0x2], $0x4000, s8, s31, $0x20;
	[tilespmem:$0x10100] =	vst v63  }
.LBB1_8:
0x41: {  	_ =	sfence.sel $0x180000  }
0x42: {  	s2 =	simm.s32 $0x1;
	[bflag:$0x0] =	sbarrier.arrive $0xFFFF  }
0x43: {  	s31 =	simm.s32 $0x2;
	[sflag:s2] =	ssyncpa.u1 $0x1  }
0x44: {  	[sflag:s31] =	ssyncpa.u1 $0x1  }
0x45: {  	p0 =	sne.s32 s0, $0x0;
	_ =	strace $0x9000004A  }
0x46: {  	s0 =	sadd.s32 @!p0 $0x100000, s1;
	[bflag:$0x2] =	sbarrier.arrive $0xFFFF  }
0x47: {  	[sflag:s0] =	ssyncadd.tile.s32 @!p0 $0x1;
	_ =	shalt  }
.Lfunc_end1:
_tile_overlayer_lowered:
.L_overlay_start_2:
0x48: {  	(tag) =	ssettag $0x2  }
0x49: {  	s0 =	rddreg [dreg:$0x0];
	s2 =	stileid.u32  }
0x4a: {  	s1 =	rddreg [dreg:$0x1];
	p0 =	sne.s32 s2, $0x0  }
0x4b: {  	s3 =	rddreg [dreg:$0x2];
	[bflag:$0x3] =	sbarrier.arrive $0xFFFF;
	s2 =	simm.s32 @!p0 $0x1C01  }
0x4c: {  	[timem:s3], [sflag:s2] =	dma.local @!p0 [hbm:s0], s1  }
0x4d: {  	s0 =	simm.s32 @!p0 $0x1  }
0x4e: {  	_ =	swait.ge @!p0 [sflag:s0], s1  }
0x4f: {  	s1 =	ssub.s32 @!p0 $0x0, s1;
	[sflag:s0] =	ssyncset.done @!p0 $0x0  }
0x50: {  	[sflag:s0] =	ssyncadd.s32 @!p0 s1  }
0x51: {  	[bflag:$0x3] =	sbarrier.arrive $0xFFFF  }
0x52: {  	_ =	shalt  }

</sc_bundles>
